<compile_context>
chip_gen: v7x
topology: tpu7x:2x2x1
jax: 0.10.2.dev20260603
libtpu: 0.0.44.dev20260713+nightly
codegen_flags: <defaults>
</compile_context>

<pallas_src>
import functools

import jax
import jax.numpy as jnp
from jax import lax
from jax.experimental import pallas as pl
from jax.experimental.pallas import tpu as pltpu
from jax.experimental.pallas import tpu_sc as plsc

N_NODES = 10000
N_EDGES = 320000
D_FEAT = 128
HIDDEN = 128
D_HALF = D_FEAT // 2

NC = 2
NS = 16
NW = NC * NS

EDGES_PER_TILE = N_EDGES // NS
CHUNK = 80
NCHUNK = EDGES_PER_TILE // CHUNK
N_PAD = 10240
ROWS_PER_TILE = N_PAD // NS
NBUF = 5
NGROUP = NCHUNK // NBUF
LANES = 16

_sc_mesh = plsc.VectorSubcoreMesh(core_axis_name="c", subcore_axis_name="s")


@functools.partial(
    pl.kernel,
    out_type=jax.ShapeDtypeStruct((N_PAD, D_FEAT), jnp.float32),
    mesh=_sc_mesh,
    compiler_params=pltpu.CompilerParams(use_tc_tiling_on_sc=False),
    scratch_types=[
        pltpu.VMEM_SHARED((N_PAD, D_HALF), jnp.float32),
        pltpu.VMEM((EDGES_PER_TILE,), jnp.int32),
        pltpu.VMEM((EDGES_PER_TILE,), jnp.int32),
        pltpu.VMEM((NCHUNK, CHUNK), jnp.int32),
    ]
    + [pltpu.VMEM((CHUNK, D_HALF), jnp.float32) for _ in range(NBUF)]
    + [pltpu.SemaphoreType.DMA for _ in range(NBUF)],
)
def _sc_segment_sum(x2_hbm, edges_hbm, zeros_hbm, out_hbm,
                    acc, src_v, dst_v1, dst_v, *bufs_and_sems):
    bufs = bufs_and_sems[:NBUF]
    sems = bufs_and_sems[NBUF:]
    cid = lax.axis_index("c")
    sid = lax.axis_index("s")

    pltpu.async_copy(zeros_hbm,
                     acc.at[pl.ds(sid * ROWS_PER_TILE, ROWS_PER_TILE)],
                     sems[0])
    pltpu.async_copy(
        edges_hbm.at[pl.ds(sid * EDGES_PER_TILE, EDGES_PER_TILE)], src_v,
        sems[1])
    pltpu.async_copy(
        edges_hbm.at[pl.ds(N_EDGES + sid * EDGES_PER_TILE, EDGES_PER_TILE)],
        dst_v1, sems[2])
    pltpu.make_async_copy(
        edges_hbm.at[pl.ds(sid * EDGES_PER_TILE, EDGES_PER_TILE)], src_v,
        sems[1]).wait()
    pltpu.make_async_copy(
        edges_hbm.at[pl.ds(N_EDGES + sid * EDGES_PER_TILE, EDGES_PER_TILE)],
        dst_v1, sems[2]).wait()

    PER_ROW = CHUNK // LANES

    XU = 5

    def xform(k0, carry):
        for u in range(XU):
            k = k0 * XU + u
            v = src_v[pl.ds(k * LANES, LANES)]
            src_v[pl.ds(k * LANES, LANES)] = 2 * v + cid
            d = dst_v1[pl.ds(k * LANES, LANES)]
            dst_v[k // PER_ROW, pl.ds((k % PER_ROW) * LANES, LANES)] = d
        return carry

    lax.fori_loop(0, EDGES_PER_TILE // LANES // XU, xform, 0)
    pltpu.make_async_copy(
        zeros_hbm, acc.at[pl.ds(sid * ROWS_PER_TILE, ROWS_PER_TILE)],
        sems[0]).wait()
    plsc.subcore_barrier()

    for b in range(NBUF):
        pltpu.async_copy(
            x2_hbm.at[src_v.at[pl.ds(b * CHUNK, CHUNK)]], bufs[b], sems[b])

    def group(g, carry):
        for b in range(NBUF):
            j = NBUF * g + b
            pltpu.make_async_copy(
                x2_hbm.at[src_v.at[pl.ds(j * CHUNK, CHUNK)]], bufs[b],
                sems[b]).wait()
            pltpu.sync_copy(bufs[b], acc.at[dst_v.at[j]], add=True)

            @pl.when(g < NGROUP - 1)
            def _():
                pltpu.async_copy(
                    x2_hbm.at[src_v.at[pl.ds((j + NBUF) * CHUNK, CHUNK)]],
                    bufs[b], sems[b])
        return carry

    lax.fori_loop(0, NGROUP, group, 0)
    plsc.subcore_barrier()

    pltpu.sync_copy(
        acc.at[pl.ds(sid * ROWS_PER_TILE, ROWS_PER_TILE)],
        out_hbm.at[pl.ds(sid * ROWS_PER_TILE, ROWS_PER_TILE),
                   pl.ds(cid * D_HALF, D_HALF)],
    )


BLK = 2000


def _mlp_body(eps_ref, x_ref, agg_ref, w1_ref, b1_ref, w2_ref, b2_ref,
              o_ref):
    coeff = 2.0 + eps_ref[0, 0]
    h = coeff * x_ref[...] + agg_ref[...]
    a = jnp.maximum(
        jnp.dot(h, w1_ref[...], preferred_element_type=jnp.float32)
        + b1_ref[...], 0.0)
    o_ref[...] = (
        jnp.dot(a, w2_ref[...], preferred_element_type=jnp.float32)
        + b2_ref[...])


def _mlp(eps, x, agg, W1, b1, W2, b2):
    grid = (N_NODES // BLK,)
    return pl.pallas_call(
        _mlp_body,
        grid=grid,
        in_specs=[
            pl.BlockSpec((1, 1), lambda i: (0, 0)),
            pl.BlockSpec((BLK, D_FEAT), lambda i: (i, 0)),
            pl.BlockSpec((BLK, D_FEAT), lambda i: (i, 0)),
            pl.BlockSpec((D_FEAT, HIDDEN), lambda i: (0, 0)),
            pl.BlockSpec((1, HIDDEN), lambda i: (0, 0)),
            pl.BlockSpec((HIDDEN, HIDDEN), lambda i: (0, 0)),
            pl.BlockSpec((1, HIDDEN), lambda i: (0, 0)),
        ],
        out_specs=pl.BlockSpec((BLK, HIDDEN), lambda i: (i, 0)),
        out_shape=jax.ShapeDtypeStruct((N_NODES, HIDDEN), jnp.float32),
    )(eps, x, agg, W1, b1, W2, b2)


def kernel(x, edge_index, edge_attr, eps, W1, b1, W2, b2):
    edges = edge_index.astype(jnp.int32).reshape(2 * N_EDGES)
    x2 = x.reshape(2 * N_NODES, D_HALF)
    zeros = jnp.zeros((ROWS_PER_TILE, D_HALF), dtype=jnp.float32)

    agg = _sc_segment_sum(x2, edges, zeros)

    eps2 = eps.reshape(1, 1)
    b1r = b1.reshape(1, HIDDEN)
    b2r = b2.reshape(1, HIDDEN)
    return _mlp(eps2, x, agg, W1, b1r, W2, b2r)

# --- scband reference (transcript-rebuilt; emitter-appended) ---
"""Pipeline reference for scband-ginlayer-with-edge-features-65859028517443 (READ-ONLY COPY).

The authoritative reference and input builder live on the scoring server;
editing this copy changes nothing except your own understanding.
"""

import jax, jax.numpy as jnp
import numpy as np

N_NODES = 10000
N_EDGES = 320000
D_FEAT = 128
D_EDGE = 16
HIDDEN = 128

def setup_inputs(seed: int = 0) -> dict:
    key = jax.random.key(seed)
    ks = jax.random.split(key, 8)
    x = jax.random.normal(ks[0], (N_NODES, D_FEAT), dtype=jnp.float32)
    edge_index = jax.random.randint(ks[1], (2, N_EDGES), 0, N_NODES, dtype=jnp.int64)
    edge_attr = jax.random.normal(ks[2], (N_EDGES, D_EDGE), dtype=jnp.float32)
    # learned params of GINLayerWithEdgeFeatures
    eps = jnp.zeros((1,), dtype=jnp.float32)  # train_eps=True, initialized to 0
    W1 = jax.random.normal(ks[3], (D_FEAT, HIDDEN), dtype=jnp.float32) * (1.0 / np.sqrt(D_FEAT))
    b1 = jnp.zeros((HIDDEN,), dtype=jnp.float32)
    W2 = jax.random.normal(ks[4], (HIDDEN, HIDDEN), dtype=jnp.float32) * (1.0 / np.sqrt(HIDDEN))
    b2 = jnp.zeros((HIDDEN,), dtype=jnp.float32)
    return {"x": x, "edge_index": edge_index, "edge_attr": edge_attr,
            "eps": eps, "W1": W1, "b1": b1, "W2": W2, "b2": b2}

def reference(x, edge_index, edge_attr, eps, W1, b1, W2, b2):
    N = x.shape[0]
    # add_self_loops: append (i, i) for every node
    loop = jnp.arange(N, dtype=edge_index.dtype)
    src = jnp.concatenate([edge_index[0], loop])
    dst = jnp.concatenate([edge_index[1], loop])
    # message(): after self-loops, edge_attr.shape[0] != x_j.shape[0],
    # so the original code falls back to returning x_j (no concat). Faithful.
    msgs = jnp.take(x, src, axis=0)
    out = jax.ops.segment_sum(msgs, dst, num_segments=N)
    h = (1.0 + eps) * x + out
    h = jnp.maximum(h @ W1 + b1, 0.0)
    return h @ W2 + b2

if __name__ == "__main__":
    import jax
    _d = setup_inputs()
    print(jax.jit(kernel)(*tuple(_d.values())))

</pallas_src>

<mosaic_0001>
#map = affine_map<(d0, d1) -> (0, 0)>
#map1 = affine_map<(d0, d1) -> (0)>
module attributes {stable_mosaic.version = 14 : i64} {
  func.func @_sc_segment_sum(%arg0: i32, %arg1: i32, %arg2: memref<20000x64xf32, #tpu.memory_space<hbm>>, %arg3: memref<640000xi32, #tpu.memory_space<hbm>>, %arg4: memref<640x64xf32, #tpu.memory_space<hbm>>, %arg5: memref<10240x128xf32, #tpu.memory_space<hbm>>, %arg6: memref<10240x64xf32, #tpu.memory_space<vmem_shared>>, %arg7: memref<20000xi32, #tpu.memory_space<vmem>>, %arg8: memref<20000xi32, #tpu.memory_space<vmem>>, %arg9: memref<250x80xi32, #tpu.memory_space<vmem>>, %arg10: memref<80x64xf32, #tpu.memory_space<vmem>>, %arg11: memref<80x64xf32, #tpu.memory_space<vmem>>, %arg12: memref<80x64xf32, #tpu.memory_space<vmem>>, %arg13: memref<80x64xf32, #tpu.memory_space<vmem>>, %arg14: memref<80x64xf32, #tpu.memory_space<vmem>>, %arg15: memref<!tpu.dma_semaphore, #tpu.memory_space<semaphore_mem>>, %arg16: memref<!tpu.dma_semaphore, #tpu.memory_space<semaphore_mem>>, %arg17: memref<!tpu.dma_semaphore, #tpu.memory_space<semaphore_mem>>, %arg18: memref<!tpu.dma_semaphore, #tpu.memory_space<semaphore_mem>>, %arg19: memref<!tpu.dma_semaphore, #tpu.memory_space<semaphore_mem>>) attributes {dimension_semantics = [#tpu.dimension_semantics<core_parallel>, #tpu.dimension_semantics<subcore_parallel>], iteration_bounds = array<i64: 2, 16>, scalar_prefetch = 0 : i64, scratch_operands = 14 : i64, tpu.core_type = #tpu.core_type<sc_vector_subcore>, window_params = [{transform_indices = #map}, {transform_indices = #map1}, {transform_indices = #map}, {transform_indices = #map}]} {
    %mul3A = arith.constant 640 : i32
    %mul3A_0 = arith.muli %arg1, %mul3A : i32
    %dma_start3A = arith.constant 0 : i32
    %dma_start3A_1 = tpu.memref_slice %arg6[%mul3A_0, %dma_start3A] : memref<10240x64xf32, #tpu.memory_space<vmem_shared>> -> memref<640x64xf32, #tpu.memory_space<vmem_shared>>
    tpu.enqueue_dma source(%arg4 : memref<640x64xf32, #tpu.memory_space<hbm>>) target(%dma_start3A_1 : memref<640x64xf32, #tpu.memory_space<vmem_shared>>) target_semaphore(%arg15 : memref<!tpu.dma_semaphore, #tpu.memory_space<semaphore_mem>>)
    %mul3A_2 = arith.constant 20000 : i32
    %mul3A_3 = arith.muli %arg1, %mul3A_2 : i32
    %dma_start3A_4 = tpu.memref_slice %arg3[%mul3A_3] : memref<640000xi32, #tpu.memory_space<hbm>> -> memref<20000xi32, #tpu.memory_space<hbm>>
    %dma_start3A_5 = tpu.memref_slice %arg3[%mul3A_3] : memref<640000xi32, #tpu.memory_space<hbm>> -> memref<20000xi32, #tpu.memory_space<hbm>>
    tpu.enqueue_dma source(%dma_start3A_5 : memref<20000xi32, #tpu.memory_space<hbm>>) target(%arg7 : memref<20000xi32, #tpu.memory_space<vmem>>) target_semaphore(%arg16 : memref<!tpu.dma_semaphore, #tpu.memory_space<semaphore_mem>>)
    %mul3A_6 = arith.constant 20000 : i32
    %mul3A_7 = arith.muli %arg1, %mul3A_6 : i32
    %add3A = arith.constant 320000 : i32
    %add3A_8 = arith.addi %add3A, %mul3A_7 : i32
    %dma_start3A_9 = tpu.memref_slice %arg3[%add3A_8] : memref<640000xi32, #tpu.memory_space<hbm>> -> memref<20000xi32, #tpu.memory_space<hbm>>
    %dma_start3A_10 = tpu.memref_slice %arg3[%add3A_8] : memref<640000xi32, #tpu.memory_space<hbm>> -> memref<20000xi32, #tpu.memory_space<hbm>>
    tpu.enqueue_dma source(%dma_start3A_10 : memref<20000xi32, #tpu.memory_space<hbm>>) target(%arg8 : memref<20000xi32, #tpu.memory_space<vmem>>) target_semaphore(%arg17 : memref<!tpu.dma_semaphore, #tpu.memory_space<semaphore_mem>>)
    %mul3A_11 = arith.constant 20000 : i32
    %mul3A_12 = arith.muli %arg1, %mul3A_11 : i32
    %dma_wait3A = tpu.memref_slice %arg3[%mul3A_12] : memref<640000xi32, #tpu.memory_space<hbm>> -> memref<20000xi32, #tpu.memory_space<hbm>>
    %dma_wait3A_13 = tpu.memref_slice %arg3[%mul3A_12] : memref<640000xi32, #tpu.memory_space<hbm>> -> memref<20000xi32, #tpu.memory_space<hbm>>
    tpu.wait_dma2 semaphore(%arg16 : memref<!tpu.dma_semaphore, #tpu.memory_space<semaphore_mem>>) src(%dma_wait3A_13 : memref<20000xi32, #tpu.memory_space<hbm>>) dst(%arg7 : memref<20000xi32, #tpu.memory_space<vmem>>)
    %mul3A_14 = arith.constant 20000 : i32
    %mul3A_15 = arith.muli %arg1, %mul3A_14 : i32
    %add3A_16 = arith.constant 320000 : i32
    %add3A_17 = arith.addi %add3A_16, %mul3A_15 : i32
    %dma_wait3A_18 = tpu.memref_slice %arg3[%add3A_17] : memref<640000xi32, #tpu.memory_space<hbm>> -> memref<20000xi32, #tpu.memory_space<hbm>>
    %dma_wait3A_19 = tpu.memref_slice %arg3[%add3A_17] : memref<640000xi32, #tpu.memory_space<hbm>> -> memref<20000xi32, #tpu.memory_space<hbm>>
    tpu.wait_dma2 semaphore(%arg17 : memref<!tpu.dma_semaphore, #tpu.memory_space<semaphore_mem>>) src(%dma_wait3A_19 : memref<20000xi32, #tpu.memory_space<hbm>>) dst(%arg8 : memref<20000xi32, #tpu.memory_space<vmem>>)
    %scan3A = arith.constant 0 : i32
    %scan3A_20 = arith.constant 0 : i32
    %scan3A_21 = arith.constant 250 : i32
    %scan3A_22 = arith.addi %scan3A_20, %scan3A_21 : i32
    %scan3A_23 = arith.constant 1 : i32
    scf.for %scan3A_67 = %scan3A_20 to %scan3A_22 step %scan3A_23  : i32 {
      %mul3A_68 = arith.constant 5 : i32
      %mul3A_69 = arith.muli %scan3A_67, %mul3A_68 : i32
      %add3A_70 = arith.constant 0 : i32
      %add3A_71 = arith.addi %mul3A_69, %add3A_70 : i32
      %mul3A_72 = arith.constant 16 : i32
      %mul3A_73 = arith.muli %add3A_71, %mul3A_72 : i32
      %get3A = arith.index_cast %mul3A_73 : i32 to index
      %get3A_74 = tpu.vector_load %arg7[%get3A] {strides = array<i32>} : memref<20000xi32, #tpu.memory_space<vmem>>, vector<16xi32>,
      %get3A_75 = vector.shape_cast %get3A_74 : vector<16xi32> to vector<16xi32>
      %mul3A_76 = arith.constant 2 : i32
      %mul3A_77 = vector.broadcast %mul3A_76 : i32 to vector<16xi32>
      %mul3A_78 = arith.muli %mul3A_77, %get3A_75 : vector<16xi32>
      %add3A_79 = vector.broadcast %arg0 : i32 to vector<16xi32>
      %add3A_80 = arith.addi %mul3A_78, %add3A_79 : vector<16xi32>
      %mul3A_81 = arith.constant 16 : i32
      %mul3A_82 = arith.muli %add3A_71, %mul3A_81 : i32
      %swap3A = arith.index_cast %mul3A_82 : i32 to index
      %swap3A_83 = tpu.vector_load %arg7[%swap3A] {strides = array<i32>} : memref<20000xi32, #tpu.memory_space<vmem>>, vector<16xi32>,
      %swap3A_84 = vector.shape_cast %swap3A_83 : vector<16xi32> to vector<16xi32>
      %swap3A_85 = vector.shape_cast %add3A_80 : vector<16xi32> to vector<16xi32>
      tpu.vector_store %arg7[%swap3A], %swap3A_85 {strides = array<i32>} : memref<20000xi32, #tpu.memory_space<vmem>>, vector<16xi32>,
      %mul3A_86 = arith.constant 16 : i32
      %mul3A_87 = arith.muli %add3A_71, %mul3A_86 : i32
      %get3A_88 = arith.index_cast %mul3A_87 : i32 to index
      %get3A_89 = tpu.vector_load %arg8[%get3A_88] {strides = array<i32>} : memref<20000xi32, #tpu.memory_space<vmem>>, vector<16xi32>,
      %get3A_90 = vector.shape_cast %get3A_89 : vector<16xi32> to vector<16xi32>
      %jit3A = arith.constant 5 : i32
      %div3A = arith.divsi %add3A_71, %jit3A : i32
      %sign3A = arith.constant 0 : i32
      %sign3A_91 = arith.cmpi sgt, %add3A_71, %sign3A : i32
      %sign3A_92 = arith.extui %sign3A_91 : i1 to i32
      %sign3A_93 = arith.constant 0 : i32
      %sign3A_94 = arith.cmpi slt, %add3A_71, %sign3A_93 : i32
      %sign3A_95 = arith.extui %sign3A_94 : i1 to i32
      %sign3A_96 = arith.subi %sign3A_92, %sign3A_95 : i32
      %sign3A_97 = arith.constant 0 : i32
      %sign3A_98 = arith.cmpi sgt, %jit3A, %sign3A_97 : i32
      %sign3A_99 = arith.extui %sign3A_98 : i1 to i32
      %sign3A_100 = arith.constant 0 : i32
      %sign3A_101 = arith.cmpi slt, %jit3A, %sign3A_100 : i32
      %sign3A_102 = arith.extui %sign3A_101 : i1 to i32
      %sign3A_103 = arith.subi %sign3A_99, %sign3A_102 : i32
      %ne3A = arith.cmpi ne, %sign3A_96, %sign3A_103 : i32
      %rem3A = arith.remsi %add3A_71, %jit3A : i32
      %ne3A_104 = arith.constant 0 : i32
      %ne3A_105 = arith.cmpi ne, %rem3A, %ne3A_104 : i32
      %and3A = arith.andi %ne3A, %ne3A_105 : i1
      %sub3A = arith.constant 1 : i32
      %sub3A_106 = arith.subi %div3A, %sub3A : i32
      %select_n3A = arith.select %and3A, %sub3A_106, %div3A : i32
      %jit3A_107 = arith.constant 5 : i32
      %eq3A = arith.constant 0 : i32
      %eq3A_108 = arith.cmpi eq, %jit3A_107, %eq3A : i32
      %jit3A_109 = arith.constant 1 : i32
      %select_n3A_110 = arith.select %eq3A_108, %jit3A_109, %jit3A_107 : i32
      %rem3A_111 = arith.remsi %add3A_71, %select_n3A_110 : i32
      %ne3A_112 = arith.constant 0 : i32
      %ne3A_113 = arith.cmpi ne, %rem3A_111, %ne3A_112 : i32
      %lt3A = arith.constant 0 : i32
      %lt3A_114 = arith.cmpi slt, %rem3A_111, %lt3A : i32
      %lt3A_115 = arith.constant 0 : i32
      %lt3A_116 = arith.cmpi slt, %select_n3A_110, %lt3A_115 : i32
      %ne3A_117 = arith.xori %lt3A_114, %lt3A_116 : i1
      %and3A_118 = arith.andi %ne3A_117, %ne3A_113 : i1
      %add3A_119 = arith.addi %rem3A_111, %select_n3A_110 : i32
      %select_n3A_120 = arith.select %and3A_118, %add3A_119, %rem3A_111 : i32
      %mul3A_121 = arith.constant 16 : i32
      %mul3A_122 = arith.muli %select_n3A_120, %mul3A_121 : i32
      %swap3A_123 = arith.index_cast %select_n3A : i32 to index
      %swap3A_124 = arith.index_cast %mul3A_122 : i32 to index
      %swap3A_125 = tpu.vector_load %arg9[%swap3A_123, %swap3A_124] {strides = array<i32>} : memref<250x80xi32, #tpu.memory_space<vmem>>, vector<1x16xi32>,
      %swap3A_126 = vector.shape_cast %swap3A_125 : vector<1x16xi32> to vector<16xi32>
      %swap3A_127 = vector.shape_cast %get3A_90 : vector<16xi32> to vector<1x16xi32>
      tpu.vector_store %arg9[%swap3A_123, %swap3A_124], %swap3A_127 {strides = array<i32>} : memref<250x80xi32, #tpu.memory_space<vmem>>, vector<1x16xi32>,
      %mul3A_128 = arith.constant 5 : i32
      %mul3A_129 = arith.muli %scan3A_67, %mul3A_128 : i32
      %add3A_130 = arith.constant 1 : i32
      %add3A_131 = arith.addi %mul3A_129, %add3A_130 : i32
      %mul3A_132 = arith.constant 16 : i32
      %mul3A_133 = arith.muli %add3A_131, %mul3A_132 : i32
      %get3A_134 = arith.index_cast %mul3A_133 : i32 to index
      %get3A_135 = tpu.vector_load %arg7[%get3A_134] {strides = array<i32>} : memref<20000xi32, #tpu.memory_space<vmem>>, vector<16xi32>,
      %get3A_136 = vector.shape_cast %get3A_135 : vector<16xi32> to vector<16xi32>
      %mul3A_137 = arith.constant 2 : i32
      %mul3A_138 = vector.broadcast %mul3A_137 : i32 to vector<16xi32>
      %mul3A_139 = arith.muli %mul3A_138, %get3A_136 : vector<16xi32>
      %add3A_140 = vector.broadcast %arg0 : i32 to vector<16xi32>
      %add3A_141 = arith.addi %mul3A_139, %add3A_140 : vector<16xi32>
      %mul3A_142 = arith.constant 16 : i32
      %mul3A_143 = arith.muli %add3A_131, %mul3A_142 : i32
      %swap3A_144 = arith.index_cast %mul3A_143 : i32 to index
      %swap3A_145 = tpu.vector_load %arg7[%swap3A_144] {strides = array<i32>} : memref<20000xi32, #tpu.memory_space<vmem>>, vector<16xi32>,
      %swap3A_146 = vector.shape_cast %swap3A_145 : vector<16xi32> to vector<16xi32>
      %swap3A_147 = vector.shape_cast %add3A_141 : vector<16xi32> to vector<16xi32>
      tpu.vector_store %arg7[%swap3A_144], %swap3A_147 {strides = array<i32>} : memref<20000xi32, #tpu.memory_space<vmem>>, vector<16xi32>,
      %mul3A_148 = arith.constant 16 : i32
      %mul3A_149 = arith.muli %add3A_131, %mul3A_148 : i32
      %get3A_150 = arith.index_cast %mul3A_149 : i32 to index
      %get3A_151 = tpu.vector_load %arg8[%get3A_150] {strides = array<i32>} : memref<20000xi32, #tpu.memory_space<vmem>>, vector<16xi32>,
      %get3A_152 = vector.shape_cast %get3A_151 : vector<16xi32> to vector<16xi32>
      %jit3A_153 = arith.constant 5 : i32
      %div3A_154 = arith.divsi %add3A_131, %jit3A_153 : i32
      %sign3A_155 = arith.constant 0 : i32
      %sign3A_156 = arith.cmpi sgt, %add3A_131, %sign3A_155 : i32
      %sign3A_157 = arith.extui %sign3A_156 : i1 to i32
      %sign3A_158 = arith.constant 0 : i32
      %sign3A_159 = arith.cmpi slt, %add3A_131, %sign3A_158 : i32
      %sign3A_160 = arith.extui %sign3A_159 : i1 to i32
      %sign3A_161 = arith.subi %sign3A_157, %sign3A_160 : i32
      %sign3A_162 = arith.constant 0 : i32
      %sign3A_163 = arith.cmpi sgt, %jit3A_153, %sign3A_162 : i32
      %sign3A_164 = arith.extui %sign3A_163 : i1 to i32
      %sign3A_165 = arith.constant 0 : i32
      %sign3A_166 = arith.cmpi slt, %jit3A_153, %sign3A_165 : i32
      %sign3A_167 = arith.extui %sign3A_166 : i1 to i32
      %sign3A_168 = arith.subi %sign3A_164, %sign3A_167 : i32
      %ne3A_169 = arith.cmpi ne, %sign3A_161, %sign3A_168 : i32
      %rem3A_170 = arith.remsi %add3A_131, %jit3A_153 : i32
      %ne3A_171 = arith.constant 0 : i32
      %ne3A_172 = arith.cmpi ne, %rem3A_170, %ne3A_171 : i32
      %and3A_173 = arith.andi %ne3A_169, %ne3A_172 : i1
      %sub3A_174 = arith.constant 1 : i32
      %sub3A_175 = arith.subi %div3A_154, %sub3A_174 : i32
      %select_n3A_176 = arith.select %and3A_173, %sub3A_175, %div3A_154 : i32
      %jit3A_177 = arith.constant 5 : i32
      %eq3A_178 = arith.constant 0 : i32
      %eq3A_179 = arith.cmpi eq, %jit3A_177, %eq3A_178 : i32
      %jit3A_180 = arith.constant 1 : i32
      %select_n3A_181 = arith.select %eq3A_179, %jit3A_180, %jit3A_177 : i32
      %rem3A_182 = arith.remsi %add3A_131, %select_n3A_181 : i32
      %ne3A_183 = arith.constant 0 : i32
      %ne3A_184 = arith.cmpi ne, %rem3A_182, %ne3A_183 : i32
      %lt3A_185 = arith.constant 0 : i32
      %lt3A_186 = arith.cmpi slt, %rem3A_182, %lt3A_185 : i32
      %lt3A_187 = arith.constant 0 : i32
      %lt3A_188 = arith.cmpi slt, %select_n3A_181, %lt3A_187 : i32
      %ne3A_189 = arith.xori %lt3A_186, %lt3A_188 : i1
      %and3A_190 = arith.andi %ne3A_189, %ne3A_184 : i1
      %add3A_191 = arith.addi %rem3A_182, %select_n3A_181 : i32
      %select_n3A_192 = arith.select %and3A_190, %add3A_191, %rem3A_182 : i32
      %mul3A_193 = arith.constant 16 : i32
      %mul3A_194 = arith.muli %select_n3A_192, %mul3A_193 : i32
      %swap3A_195 = arith.index_cast %select_n3A_176 : i32 to index
      %swap3A_196 = arith.index_cast %mul3A_194 : i32 to index
      %swap3A_197 = tpu.vector_load %arg9[%swap3A_195, %swap3A_196] {strides = array<i32>} : memref<250x80xi32, #tpu.memory_space<vmem>>, vector<1x16xi32>,
      %swap3A_198 = vector.shape_cast %swap3A_197 : vector<1x16xi32> to vector<16xi32>
      %swap3A_199 = vector.shape_cast %get3A_152 : vector<16xi32> to vector<1x16xi32>
      tpu.vector_store %arg9[%swap3A_195, %swap3A_196], %swap3A_199 {strides = array<i32>} : memref<250x80xi32, #tpu.memory_space<vmem>>, vector<1x16xi32>,
      %mul3A_200 = arith.constant 5 : i32
      %mul3A_201 = arith.muli %scan3A_67, %mul3A_200 : i32
      %add3A_202 = arith.constant 2 : i32
      %add3A_203 = arith.addi %mul3A_201, %add3A_202 : i32
      %mul3A_204 = arith.constant 16 : i32
      %mul3A_205 = arith.muli %add3A_203, %mul3A_204 : i32
      %get3A_206 = arith.index_cast %mul3A_205 : i32 to index
      %get3A_207 = tpu.vector_load %arg7[%get3A_206] {strides = array<i32>} : memref<20000xi32, #tpu.memory_space<vmem>>, vector<16xi32>,
      %get3A_208 = vector.shape_cast %get3A_207 : vector<16xi32> to vector<16xi32>
      %mul3A_209 = arith.constant 2 : i32
      %mul3A_210 = vector.broadcast %mul3A_209 : i32 to vector<16xi32>
      %mul3A_211 = arith.muli %mul3A_210, %get3A_208 : vector<16xi32>
      %add3A_212 = vector.broadcast %arg0 : i32 to vector<16xi32>
      %add3A_213 = arith.addi %mul3A_211, %add3A_212 : vector<16xi32>
      %mul3A_214 = arith.constant 16 : i32
      %mul3A_215 = arith.muli %add3A_203, %mul3A_214 : i32
      %swap3A_216 = arith.index_cast %mul3A_215 : i32 to index
      %swap3A_217 = tpu.vector_load %arg7[%swap3A_216] {strides = array<i32>} : memref<20000xi32, #tpu.memory_space<vmem>>, vector<16xi32>,
      %swap3A_218 = vector.shape_cast %swap3A_217 : vector<16xi32> to vector<16xi32>
      %swap3A_219 = vector.shape_cast %add3A_213 : vector<16xi32> to vector<16xi32>
      tpu.vector_store %arg7[%swap3A_216], %swap3A_219 {strides = array<i32>} : memref<20000xi32, #tpu.memory_space<vmem>>, vector<16xi32>,
      %mul3A_220 = arith.constant 16 : i32
      %mul3A_221 = arith.muli %add3A_203, %mul3A_220 : i32
      %get3A_222 = arith.index_cast %mul3A_221 : i32 to index
      %get3A_223 = tpu.vector_load %arg8[%get3A_222] {strides = array<i32>} : memref<20000xi32, #tpu.memory_space<vmem>>, vector<16xi32>,
      %get3A_224 = vector.shape_cast %get3A_223 : vector<16xi32> to vector<16xi32>
      %jit3A_225 = arith.constant 5 : i32
      %div3A_226 = arith.divsi %add3A_203, %jit3A_225 : i32
      %sign3A_227 = arith.constant 0 : i32
      %sign3A_228 = arith.cmpi sgt, %add3A_203, %sign3A_227 : i32
      %sign3A_229 = arith.extui %sign3A_228 : i1 to i32
      %sign3A_230 = arith.constant 0 : i32
      %sign3A_231 = arith.cmpi slt, %add3A_203, %sign3A_230 : i32
      %sign3A_232 = arith.extui %sign3A_231 : i1 to i32
      %sign3A_233 = arith.subi %sign3A_229, %sign3A_232 : i32
      %sign3A_234 = arith.constant 0 : i32
      %sign3A_235 = arith.cmpi sgt, %jit3A_225, %sign3A_234 : i32
      %sign3A_236 = arith.extui %sign3A_235 : i1 to i32
      %sign3A_237 = arith.constant 0 : i32
      %sign3A_238 = arith.cmpi slt, %jit3A_225, %sign3A_237 : i32
      %sign3A_239 = arith.extui %sign3A_238 : i1 to i32
      %sign3A_240 = arith.subi %sign3A_236, %sign3A_239 : i32
      %ne3A_241 = arith.cmpi ne, %sign3A_233, %sign3A_240 : i32
      %rem3A_242 = arith.remsi %add3A_203, %jit3A_225 : i32
      %ne3A_243 = arith.constant 0 : i32
      %ne3A_244 = arith.cmpi ne, %rem3A_242, %ne3A_243 : i32
      %and3A_245 = arith.andi %ne3A_241, %ne3A_244 : i1
      %sub3A_246 = arith.constant 1 : i32
      %sub3A_247 = arith.subi %div3A_226, %sub3A_246 : i32
      %select_n3A_248 = arith.select %and3A_245, %sub3A_247, %div3A_226 : i32
      %jit3A_249 = arith.constant 5 : i32
      %eq3A_250 = arith.constant 0 : i32
      %eq3A_251 = arith.cmpi eq, %jit3A_249, %eq3A_250 : i32
      %jit3A_252 = arith.constant 1 : i32
      %select_n3A_253 = arith.select %eq3A_251, %jit3A_252, %jit3A_249 : i32
      %rem3A_254 = arith.remsi %add3A_203, %select_n3A_253 : i32
      %ne3A_255 = arith.constant 0 : i32
      %ne3A_256 = arith.cmpi ne, %rem3A_254, %ne3A_255 : i32
      %lt3A_257 = arith.constant 0 : i32
      %lt3A_258 = arith.cmpi slt, %rem3A_254, %lt3A_257 : i32
      %lt3A_259 = arith.constant 0 : i32
      %lt3A_260 = arith.cmpi slt, %select_n3A_253, %lt3A_259 : i32
      %ne3A_261 = arith.xori %lt3A_258, %lt3A_260 : i1
      %and3A_262 = arith.andi %ne3A_261, %ne3A_256 : i1
      %add3A_263 = arith.addi %rem3A_254, %select_n3A_253 : i32
      %select_n3A_264 = arith.select %and3A_262, %add3A_263, %rem3A_254 : i32
      %mul3A_265 = arith.constant 16 : i32
      %mul3A_266 = arith.muli %select_n3A_264, %mul3A_265 : i32
      %swap3A_267 = arith.index_cast %select_n3A_248 : i32 to index
      %swap3A_268 = arith.index_cast %mul3A_266 : i32 to index
      %swap3A_269 = tpu.vector_load %arg9[%swap3A_267, %swap3A_268] {strides = array<i32>} : memref<250x80xi32, #tpu.memory_space<vmem>>, vector<1x16xi32>,
      %swap3A_270 = vector.shape_cast %swap3A_269 : vector<1x16xi32> to vector<16xi32>
      %swap3A_271 = vector.shape_cast %get3A_224 : vector<16xi32> to vector<1x16xi32>
      tpu.vector_store %arg9[%swap3A_267, %swap3A_268], %swap3A_271 {strides = array<i32>} : memref<250x80xi32, #tpu.memory_space<vmem>>, vector<1x16xi32>,
      %mul3A_272 = arith.constant 5 : i32
      %mul3A_273 = arith.muli %scan3A_67, %mul3A_272 : i32
      %add3A_274 = arith.constant 3 : i32
      %add3A_275 = arith.addi %mul3A_273, %add3A_274 : i32
      %mul3A_276 = arith.constant 16 : i32
      %mul3A_277 = arith.muli %add3A_275, %mul3A_276 : i32
      %get3A_278 = arith.index_cast %mul3A_277 : i32 to index
      %get3A_279 = tpu.vector_load %arg7[%get3A_278] {strides = array<i32>} : memref<20000xi32, #tpu.memory_space<vmem>>, vector<16xi32>,
      %get3A_280 = vector.shape_cast %get3A_279 : vector<16xi32> to vector<16xi32>
      %mul3A_281 = arith.constant 2 : i32
      %mul3A_282 = vector.broadcast %mul3A_281 : i32 to vector<16xi32>
      %mul3A_283 = arith.muli %mul3A_282, %get3A_280 : vector<16xi32>
      %add3A_284 = vector.broadcast %arg0 : i32 to vector<16xi32>
      %add3A_285 = arith.addi %mul3A_283, %add3A_284 : vector<16xi32>
      %mul3A_286 = arith.constant 16 : i32
      %mul3A_287 = arith.muli %add3A_275, %mul3A_286 : i32
      %swap3A_288 = arith.index_cast %mul3A_287 : i32 to index
      %swap3A_289 = tpu.vector_load %arg7[%swap3A_288] {strides = array<i32>} : memref<20000xi32, #tpu.memory_space<vmem>>, vector<16xi32>,
      %swap3A_290 = vector.shape_cast %swap3A_289 : vector<16xi32> to vector<16xi32>
      %swap3A_291 = vector.shape_cast %add3A_285 : vector<16xi32> to vector<16xi32>
      tpu.vector_store %arg7[%swap3A_288], %swap3A_291 {strides = array<i32>} : memref<20000xi32, #tpu.memory_space<vmem>>, vector<16xi32>,
      %mul3A_292 = arith.constant 16 : i32
      %mul3A_293 = arith.muli %add3A_275, %mul3A_292 : i32
      %get3A_294 = arith.index_cast %mul3A_293 : i32 to index
      %get3A_295 = tpu.vector_load %arg8[%get3A_294] {strides = array<i32>} : memref<20000xi32, #tpu.memory_space<vmem>>, vector<16xi32>,
      %get3A_296 = vector.shape_cast %get3A_295 : vector<16xi32> to vector<16xi32>
      %jit3A_297 = arith.constant 5 : i32
      %div3A_298 = arith.divsi %add3A_275, %jit3A_297 : i32
      %sign3A_299 = arith.constant 0 : i32
      %sign3A_300 = arith.cmpi sgt, %add3A_275, %sign3A_299 : i32
      %sign3A_301 = arith.extui %sign3A_300 : i1 to i32
      %sign3A_302 = arith.constant 0 : i32
      %sign3A_303 = arith.cmpi slt, %add3A_275, %sign3A_302 : i32
      %sign3A_304 = arith.extui %sign3A_303 : i1 to i32
      %sign3A_305 = arith.subi %sign3A_301, %sign3A_304 : i32
      %sign3A_306 = arith.constant 0 : i32
      %sign3A_307 = arith.cmpi sgt, %jit3A_297, %sign3A_306 : i32
      %sign3A_308 = arith.extui %sign3A_307 : i1 to i32
      %sign3A_309 = arith.constant 0 : i32
      %sign3A_310 = arith.cmpi slt, %jit3A_297, %sign3A_309 : i32
      %sign3A_311 = arith.extui %sign3A_310 : i1 to i32
      %sign3A_312 = arith.subi %sign3A_308, %sign3A_311 : i32
      %ne3A_313 = arith.cmpi ne, %sign3A_305, %sign3A_312 : i32
      %rem3A_314 = arith.remsi %add3A_275, %jit3A_297 : i32
      %ne3A_315 = arith.constant 0 : i32
      %ne3A_316 = arith.cmpi ne, %rem3A_314, %ne3A_315 : i32
      %and3A_317 = arith.andi %ne3A_313, %ne3A_316 : i1
      %sub3A_318 = arith.constant 1 : i32
      %sub3A_319 = arith.subi %div3A_298, %sub3A_318 : i32
      %select_n3A_320 = arith.select %and3A_317, %sub3A_319, %div3A_298 : i32
      %jit3A_321 = arith.constant 5 : i32
      %eq3A_322 = arith.constant 0 : i32
      %eq3A_323 = arith.cmpi eq, %jit3A_321, %eq3A_322 : i32
      %jit3A_324 = arith.constant 1 : i32
      %select_n3A_325 = arith.select %eq3A_323, %jit3A_324, %jit3A_321 : i32
      %rem3A_326 = arith.remsi %add3A_275, %select_n3A_325 : i32
      %ne3A_327 = arith.constant 0 : i32
      %ne3A_328 = arith.cmpi ne, %rem3A_326, %ne3A_327 : i32
      %lt3A_329 = arith.constant 0 : i32
      %lt3A_330 = arith.cmpi slt, %rem3A_326, %lt3A_329 : i32
      %lt3A_331 = arith.constant 0 : i32
      %lt3A_332 = arith.cmpi slt, %select_n3A_325, %lt3A_331 : i32
      %ne3A_333 = arith.xori %lt3A_330, %lt3A_332 : i1
      %and3A_334 = arith.andi %ne3A_333, %ne3A_328 : i1
      %add3A_335 = arith.addi %rem3A_326, %select_n3A_325 : i32
      %select_n3A_336 = arith.select %and3A_334, %add3A_335, %rem3A_326 : i32
      %mul3A_337 = arith.constant 16 : i32
      %mul3A_338 = arith.muli %select_n3A_336, %mul3A_337 : i32
      %swap3A_339 = arith.index_cast %select_n3A_320 : i32 to index
      %swap3A_340 = arith.index_cast %mul3A_338 : i32 to index
      %swap3A_341 = tpu.vector_load %arg9[%swap3A_339, %swap3A_340] {strides = array<i32>} : memref<250x80xi32, #tpu.memory_space<vmem>>, vector<1x16xi32>,
      %swap3A_342 = vector.shape_cast %swap3A_341 : vector<1x16xi32> to vector<16xi32>
      %swap3A_343 = vector.shape_cast %get3A_296 : vector<16xi32> to vector<1x16xi32>
      tpu.vector_store %arg9[%swap3A_339, %swap3A_340], %swap3A_343 {strides = array<i32>} : memref<250x80xi32, #tpu.memory_space<vmem>>, vector<1x16xi32>,
      %mul3A_344 = arith.constant 5 : i32
      %mul3A_345 = arith.muli %scan3A_67, %mul3A_344 : i32
      %add3A_346 = arith.constant 4 : i32
      %add3A_347 = arith.addi %mul3A_345, %add3A_346 : i32
      %mul3A_348 = arith.constant 16 : i32
      %mul3A_349 = arith.muli %add3A_347, %mul3A_348 : i32
      %get3A_350 = arith.index_cast %mul3A_349 : i32 to index
      %get3A_351 = tpu.vector_load %arg7[%get3A_350] {strides = array<i32>} : memref<20000xi32, #tpu.memory_space<vmem>>, vector<16xi32>,
      %get3A_352 = vector.shape_cast %get3A_351 : vector<16xi32> to vector<16xi32>
      %mul3A_353 = arith.constant 2 : i32
      %mul3A_354 = vector.broadcast %mul3A_353 : i32 to vector<16xi32>
      %mul3A_355 = arith.muli %mul3A_354, %get3A_352 : vector<16xi32>
      %add3A_356 = vector.broadcast %arg0 : i32 to vector<16xi32>
      %add3A_357 = arith.addi %mul3A_355, %add3A_356 : vector<16xi32>
      %mul3A_358 = arith.constant 16 : i32
      %mul3A_359 = arith.muli %add3A_347, %mul3A_358 : i32
      %swap3A_360 = arith.index_cast %mul3A_359 : i32 to index
      %swap3A_361 = tpu.vector_load %arg7[%swap3A_360] {strides = array<i32>} : memref<20000xi32, #tpu.memory_space<vmem>>, vector<16xi32>,
      %swap3A_362 = vector.shape_cast %swap3A_361 : vector<16xi32> to vector<16xi32>
      %swap3A_363 = vector.shape_cast %add3A_357 : vector<16xi32> to vector<16xi32>
      tpu.vector_store %arg7[%swap3A_360], %swap3A_363 {strides = array<i32>} : memref<20000xi32, #tpu.memory_space<vmem>>, vector<16xi32>,
      %mul3A_364 = arith.constant 16 : i32
      %mul3A_365 = arith.muli %add3A_347, %mul3A_364 : i32
      %get3A_366 = arith.index_cast %mul3A_365 : i32 to index
      %get3A_367 = tpu.vector_load %arg8[%get3A_366] {strides = array<i32>} : memref<20000xi32, #tpu.memory_space<vmem>>, vector<16xi32>,
      %get3A_368 = vector.shape_cast %get3A_367 : vector<16xi32> to vector<16xi32>
      %jit3A_369 = arith.constant 5 : i32
      %div3A_370 = arith.divsi %add3A_347, %jit3A_369 : i32
      %sign3A_371 = arith.constant 0 : i32
      %sign3A_372 = arith.cmpi sgt, %add3A_347, %sign3A_371 : i32
      %sign3A_373 = arith.extui %sign3A_372 : i1 to i32
      %sign3A_374 = arith.constant 0 : i32
      %sign3A_375 = arith.cmpi slt, %add3A_347, %sign3A_374 : i32
      %sign3A_376 = arith.extui %sign3A_375 : i1 to i32
      %sign3A_377 = arith.subi %sign3A_373, %sign3A_376 : i32
      %sign3A_378 = arith.constant 0 : i32
      %sign3A_379 = arith.cmpi sgt, %jit3A_369, %sign3A_378 : i32
      %sign3A_380 = arith.extui %sign3A_379 : i1 to i32
      %sign3A_381 = arith.constant 0 : i32
      %sign3A_382 = arith.cmpi slt, %jit3A_369, %sign3A_381 : i32
      %sign3A_383 = arith.extui %sign3A_382 : i1 to i32
      %sign3A_384 = arith.subi %sign3A_380, %sign3A_383 : i32
      %ne3A_385 = arith.cmpi ne, %sign3A_377, %sign3A_384 : i32
      %rem3A_386 = arith.remsi %add3A_347, %jit3A_369 : i32
      %ne3A_387 = arith.constant 0 : i32
      %ne3A_388 = arith.cmpi ne, %rem3A_386, %ne3A_387 : i32
      %and3A_389 = arith.andi %ne3A_385, %ne3A_388 : i1
      %sub3A_390 = arith.constant 1 : i32
      %sub3A_391 = arith.subi %div3A_370, %sub3A_390 : i32
      %select_n3A_392 = arith.select %and3A_389, %sub3A_391, %div3A_370 : i32
      %jit3A_393 = arith.constant 5 : i32
      %eq3A_394 = arith.constant 0 : i32
      %eq3A_395 = arith.cmpi eq, %jit3A_393, %eq3A_394 : i32
      %jit3A_396 = arith.constant 1 : i32
      %select_n3A_397 = arith.select %eq3A_395, %jit3A_396, %jit3A_393 : i32
      %rem3A_398 = arith.remsi %add3A_347, %select_n3A_397 : i32
      %ne3A_399 = arith.constant 0 : i32
      %ne3A_400 = arith.cmpi ne, %rem3A_398, %ne3A_399 : i32
      %lt3A_401 = arith.constant 0 : i32
      %lt3A_402 = arith.cmpi slt, %rem3A_398, %lt3A_401 : i32
      %lt3A_403 = arith.constant 0 : i32
      %lt3A_404 = arith.cmpi slt, %select_n3A_397, %lt3A_403 : i32
      %ne3A_405 = arith.xori %lt3A_402, %lt3A_404 : i1
      %and3A_406 = arith.andi %ne3A_405, %ne3A_400 : i1
      %add3A_407 = arith.addi %rem3A_398, %select_n3A_397 : i32
      %select_n3A_408 = arith.select %and3A_406, %add3A_407, %rem3A_398 : i32
      %mul3A_409 = arith.constant 16 : i32
      %mul3A_410 = arith.muli %select_n3A_408, %mul3A_409 : i32
      %swap3A_411 = arith.index_cast %select_n3A_392 : i32 to index
      %swap3A_412 = arith.index_cast %mul3A_410 : i32 to index
      %swap3A_413 = tpu.vector_load %arg9[%swap3A_411, %swap3A_412] {strides = array<i32>} : memref<250x80xi32, #tpu.memory_space<vmem>>, vector<1x16xi32>,
      %swap3A_414 = vector.shape_cast %swap3A_413 : vector<1x16xi32> to vector<16xi32>
      %swap3A_415 = vector.shape_cast %get3A_368 : vector<16xi32> to vector<1x16xi32>
      tpu.vector_store %arg9[%swap3A_411, %swap3A_412], %swap3A_415 {strides = array<i32>} : memref<250x80xi32, #tpu.memory_space<vmem>>, vector<1x16xi32>,
    }
    %scan3A_24 = arith.constant 250 : i32
    %mul3A_25 = arith.constant 640 : i32
    %mul3A_26 = arith.muli %arg1, %mul3A_25 : i32
    %dma_wait3A_27 = arith.constant 0 : i32
    %dma_wait3A_28 = tpu.memref_slice %arg6[%mul3A_26, %dma_wait3A_27] : memref<10240x64xf32, #tpu.memory_space<vmem_shared>> -> memref<640x64xf32, #tpu.memory_space<vmem_shared>>
    tpu.wait_dma2 semaphore(%arg15 : memref<!tpu.dma_semaphore, #tpu.memory_space<semaphore_mem>>) src(%arg4 : memref<640x64xf32, #tpu.memory_space<hbm>>) dst(%dma_wait3A_28 : memref<640x64xf32, #tpu.memory_space<vmem_shared>>)
    %barrier3A = arith.constant 0 : index
    tpu.barrier barrier_id(%barrier3A)
    %dma_start3A_29 = arith.constant 0 : i32
    %dma_start3A_30 = tpu.memref_slice %arg7[%dma_start3A_29] : memref<20000xi32, #tpu.memory_space<vmem>> -> memref<80xi32, #tpu.memory_space<vmem>>
    %dma_start3A_31 = arith.constant 0 : i32
    %dma_start3A_32 = arith.constant 0 : i32
    %dma_start3A_33 = tpu.memref_slice %arg2[%dma_start3A_31, %dma_start3A_32] : memref<20000x64xf32, #tpu.memory_space<hbm>> -> memref<20000x64xf32, #tpu.memory_space<hbm>>
    tpu.enqueue_indirect_dma source(%dma_start3A_33 : memref<20000x64xf32, #tpu.memory_space<hbm>>) target(%arg10 : memref<80x64xf32, #tpu.memory_space<vmem>>) offsets(%dma_start3A_30 : memref<80xi32, #tpu.memory_space<vmem>>) semaphore(%arg15 : memref<!tpu.dma_semaphore, #tpu.memory_space<semaphore_mem>>)
    %dma_start3A_34 = arith.constant 80 : i32
    %dma_start3A_35 = tpu.memref_slice %arg7[%dma_start3A_34] : memref<20000xi32, #tpu.memory_space<vmem>> -> memref<80xi32, #tpu.memory_space<vmem>>
    %dma_start3A_36 = arith.constant 0 : i32
    %dma_start3A_37 = arith.constant 0 : i32
    %dma_start3A_38 = tpu.memref_slice %arg2[%dma_start3A_36, %dma_start3A_37] : memref<20000x64xf32, #tpu.memory_space<hbm>> -> memref<20000x64xf32, #tpu.memory_space<hbm>>
    tpu.enqueue_indirect_dma source(%dma_start3A_38 : memref<20000x64xf32, #tpu.memory_space<hbm>>) target(%arg11 : memref<80x64xf32, #tpu.memory_space<vmem>>) offsets(%dma_start3A_35 : memref<80xi32, #tpu.memory_space<vmem>>) semaphore(%arg16 : memref<!tpu.dma_semaphore, #tpu.memory_space<semaphore_mem>>)
    %dma_start3A_39 = arith.constant 160 : i32
    %dma_start3A_40 = tpu.memref_slice %arg7[%dma_start3A_39] : memref<20000xi32, #tpu.memory_space<vmem>> -> memref<80xi32, #tpu.memory_space<vmem>>
    %dma_start3A_41 = arith.constant 0 : i32
    %dma_start3A_42 = arith.constant 0 : i32
    %dma_start3A_43 = tpu.memref_slice %arg2[%dma_start3A_41, %dma_start3A_42] : memref<20000x64xf32, #tpu.memory_space<hbm>> -> memref<20000x64xf32, #tpu.memory_space<hbm>>
    tpu.enqueue_indirect_dma source(%dma_start3A_43 : memref<20000x64xf32, #tpu.memory_space<hbm>>) target(%arg12 : memref<80x64xf32, #tpu.memory_space<vmem>>) offsets(%dma_start3A_40 : memref<80xi32, #tpu.memory_space<vmem>>) semaphore(%arg17 : memref<!tpu.dma_semaphore, #tpu.memory_space<semaphore_mem>>)
    %dma_start3A_44 = arith.constant 240 : i32
    %dma_start3A_45 = tpu.memref_slice %arg7[%dma_start3A_44] : memref<20000xi32, #tpu.memory_space<vmem>> -> memref<80xi32, #tpu.memory_space<vmem>>
    %dma_start3A_46 = arith.constant 0 : i32
    %dma_start3A_47 = arith.constant 0 : i32
    %dma_start3A_48 = tpu.memref_slice %arg2[%dma_start3A_46, %dma_start3A_47] : memref<20000x64xf32, #tpu.memory_space<hbm>> -> memref<20000x64xf32, #tpu.memory_space<hbm>>
    tpu.enqueue_indirect_dma source(%dma_start3A_48 : memref<20000x64xf32, #tpu.memory_space<hbm>>) target(%arg13 : memref<80x64xf32, #tpu.memory_space<vmem>>) offsets(%dma_start3A_45 : memref<80xi32, #tpu.memory_space<vmem>>) semaphore(%arg18 : memref<!tpu.dma_semaphore, #tpu.memory_space<semaphore_mem>>)
    %dma_start3A_49 = arith.constant 320 : i32
    %dma_start3A_50 = tpu.memref_slice %arg7[%dma_start3A_49] : memref<20000xi32, #tpu.memory_space<vmem>> -> memref<80xi32, #tpu.memory_space<vmem>>
    %dma_start3A_51 = arith.constant 0 : i32
    %dma_start3A_52 = arith.constant 0 : i32
    %dma_start3A_53 = tpu.memref_slice %arg2[%dma_start3A_51, %dma_start3A_52] : memref<20000x64xf32, #tpu.memory_space<hbm>> -> memref<20000x64xf32, #tpu.memory_space<hbm>>
    tpu.enqueue_indirect_dma source(%dma_start3A_53 : memref<20000x64xf32, #tpu.memory_space<hbm>>) target(%arg14 : memref<80x64xf32, #tpu.memory_space<vmem>>) offsets(%dma_start3A_50 : memref<80xi32, #tpu.memory_space<vmem>>) semaphore(%arg19 : memref<!tpu.dma_semaphore, #tpu.memory_space<semaphore_mem>>)
    %scan3A_54 = arith.constant 0 : i32
    %scan3A_55 = arith.constant 0 : i32
    %scan3A_56 = arith.constant 50 : i32
    %scan3A_57 = arith.addi %scan3A_55, %scan3A_56 : i32
    %scan3A_58 = arith.constant 1 : i32
    scf.for %scan3A_67 = %scan3A_55 to %scan3A_57 step %scan3A_58  : i32 {
      %mul3A_68 = arith.constant 5 : i32
      %mul3A_69 = arith.muli %mul3A_68, %scan3A_67 : i32
      %add3A_70 = arith.constant 0 : i32
      %add3A_71 = arith.addi %mul3A_69, %add3A_70 : i32
      %mul3A_72 = arith.constant 80 : i32
      %mul3A_73 = arith.muli %add3A_71, %mul3A_72 : i32
      %dma_wait3A_74 = tpu.memref_slice %arg7[%mul3A_73] : memref<20000xi32, #tpu.memory_space<vmem>> -> memref<80xi32, #tpu.memory_space<vmem>>
      %dma_wait3A_75 = arith.constant 0 : i32
      %dma_wait3A_76 = arith.constant 0 : i32
      %dma_wait3A_77 = tpu.memref_slice %arg2[%dma_wait3A_75, %dma_wait3A_76] : memref<20000x64xf32, #tpu.memory_space<hbm>> -> memref<20000x64xf32, #tpu.memory_space<hbm>>
      tpu.wait_indirect_dma semaphore(%arg15 : memref<!tpu.dma_semaphore, #tpu.memory_space<semaphore_mem>>) src(%dma_wait3A_77 : memref<20000x64xf32, #tpu.memory_space<hbm>>) dst(%arg10 : memref<80x64xf32, #tpu.memory_space<vmem>>)
      "tpu.region"() ({
        %run_scoped3A = tpu.sem_alloc : memref<!tpu.dma_semaphore, #tpu.memory_space<semaphore_mem>>
        %dma_start3A_140 = arith.constant 0 : i32
        %dma_start3A_141 = tpu.memref_slice %arg9[%add3A_71, %dma_start3A_140] : memref<250x80xi32, #tpu.memory_space<vmem>> -> memref<1x80xi32, #tpu.memory_space<vmem>>
        %dma_start3A_142 = tpu.memref_squeeze %dma_start3A_141 : memref<1x80xi32, #tpu.memory_space<vmem>> -> memref<80xi32, #tpu.memory_space<vmem>>
        %dma_start3A_143 = arith.constant 0 : i32
        %dma_start3A_144 = arith.constant 0 : i32
        %dma_start3A_145 = tpu.memref_slice %arg6[%dma_start3A_143, %dma_start3A_144] : memref<10240x64xf32, #tpu.memory_space<vmem_shared>> -> memref<10240x64xf32, #tpu.memory_space<vmem_shared>>
        tpu.enqueue_indirect_dma source(%arg10 : memref<80x64xf32, #tpu.memory_space<vmem>>) target(%dma_start3A_145 : memref<10240x64xf32, #tpu.memory_space<vmem_shared>>) offsets(%dma_start3A_142 : memref<80xi32, #tpu.memory_space<vmem>>) semaphore(%run_scoped3A : memref<!tpu.dma_semaphore, #tpu.memory_space<semaphore_mem>>) {add = true}
        %dma_wait3A_146 = arith.constant 0 : i32
        %dma_wait3A_147 = tpu.memref_slice %arg9[%add3A_71, %dma_wait3A_146] : memref<250x80xi32, #tpu.memory_space<vmem>> -> memref<1x80xi32, #tpu.memory_space<vmem>>
        %dma_wait3A_148 = tpu.memref_squeeze %dma_wait3A_147 : memref<1x80xi32, #tpu.memory_space<vmem>> -> memref<80xi32, #tpu.memory_space<vmem>>
        %dma_wait3A_149 = arith.constant 0 : i32
        %dma_wait3A_150 = arith.constant 0 : i32
        %dma_wait3A_151 = tpu.memref_slice %arg6[%dma_wait3A_149, %dma_wait3A_150] : memref<10240x64xf32, #tpu.memory_space<vmem_shared>> -> memref<10240x64xf32, #tpu.memory_space<vmem_shared>>
        tpu.wait_indirect_dma semaphore(%run_scoped3A : memref<!tpu.dma_semaphore, #tpu.memory_space<semaphore_mem>>) src(%arg10 : memref<80x64xf32, #tpu.memory_space<vmem>>) dst(%dma_wait3A_151 : memref<10240x64xf32, #tpu.memory_space<vmem_shared>>)
        tpu.yield
      }) : () -> ()
      %lt3A = arith.constant 49 : i32
      %lt3A_78 = arith.cmpi slt, %scan3A_67, %lt3A : i32
      %convert_element_type3A = arith.extui %lt3A_78 : i1 to i32
      %cond3A = arith.constant 0 : i32
      %cond3A_79 = arith.cmpi ne, %convert_element_type3A, %cond3A : i32
      scf.if %cond3A_79 {
        %add3A_140 = arith.constant 5 : i32
        %add3A_141 = arith.addi %add3A_71, %add3A_140 : i32
        %mul3A_142 = arith.constant 80 : i32
        %mul3A_143 = arith.muli %add3A_141, %mul3A_142 : i32
        %dma_start3A_144 = tpu.memref_slice %arg7[%mul3A_143] : memref<20000xi32, #tpu.memory_space<vmem>> -> memref<80xi32, #tpu.memory_space<vmem>>
        %dma_start3A_145 = arith.constant 0 : i32
        %dma_start3A_146 = arith.constant 0 : i32
        %dma_start3A_147 = tpu.memref_slice %arg2[%dma_start3A_145, %dma_start3A_146] : memref<20000x64xf32, #tpu.memory_space<hbm>> -> memref<20000x64xf32, #tpu.memory_space<hbm>>
        tpu.enqueue_indirect_dma source(%dma_start3A_147 : memref<20000x64xf32, #tpu.memory_space<hbm>>) target(%arg10 : memref<80x64xf32, #tpu.memory_space<vmem>>) offsets(%dma_start3A_144 : memref<80xi32, #tpu.memory_space<vmem>>) semaphore(%arg15 : memref<!tpu.dma_semaphore, #tpu.memory_space<semaphore_mem>>)
      } else {
      }
      %mul3A_80 = arith.constant 5 : i32
      %mul3A_81 = arith.muli %mul3A_80, %scan3A_67 : i32
      %add3A_82 = arith.constant 1 : i32
      %add3A_83 = arith.addi %mul3A_81, %add3A_82 : i32
      %mul3A_84 = arith.constant 80 : i32
      %mul3A_85 = arith.muli %add3A_83, %mul3A_84 : i32
      %dma_wait3A_86 = tpu.memref_slice %arg7[%mul3A_85] : memref<20000xi32, #tpu.memory_space<vmem>> -> memref<80xi32, #tpu.memory_space<vmem>>
      %dma_wait3A_87 = arith.constant 0 : i32
      %dma_wait3A_88 = arith.constant 0 : i32
      %dma_wait3A_89 = tpu.memref_slice %arg2[%dma_wait3A_87, %dma_wait3A_88] : memref<20000x64xf32, #tpu.memory_space<hbm>> -> memref<20000x64xf32, #tpu.memory_space<hbm>>
      tpu.wait_indirect_dma semaphore(%arg16 : memref<!tpu.dma_semaphore, #tpu.memory_space<semaphore_mem>>) src(%dma_wait3A_89 : memref<20000x64xf32, #tpu.memory_space<hbm>>) dst(%arg11 : memref<80x64xf32, #tpu.memory_space<vmem>>)
      "tpu.region"() ({
        %run_scoped3A = tpu.sem_alloc : memref<!tpu.dma_semaphore, #tpu.memory_space<semaphore_mem>>
        %dma_start3A_140 = arith.constant 0 : i32
        %dma_start3A_141 = tpu.memref_slice %arg9[%add3A_83, %dma_start3A_140] : memref<250x80xi32, #tpu.memory_space<vmem>> -> memref<1x80xi32, #tpu.memory_space<vmem>>
        %dma_start3A_142 = tpu.memref_squeeze %dma_start3A_141 : memref<1x80xi32, #tpu.memory_space<vmem>> -> memref<80xi32, #tpu.memory_space<vmem>>
        %dma_start3A_143 = arith.constant 0 : i32
        %dma_start3A_144 = arith.constant 0 : i32
        %dma_start3A_145 = tpu.memref_slice %arg6[%dma_start3A_143, %dma_start3A_144] : memref<10240x64xf32, #tpu.memory_space<vmem_shared>> -> memref<10240x64xf32, #tpu.memory_space<vmem_shared>>
        tpu.enqueue_indirect_dma source(%arg11 : memref<80x64xf32, #tpu.memory_space<vmem>>) target(%dma_start3A_145 : memref<10240x64xf32, #tpu.memory_space<vmem_shared>>) offsets(%dma_start3A_142 : memref<80xi32, #tpu.memory_space<vmem>>) semaphore(%run_scoped3A : memref<!tpu.dma_semaphore, #tpu.memory_space<semaphore_mem>>) {add = true}
        %dma_wait3A_146 = arith.constant 0 : i32
        %dma_wait3A_147 = tpu.memref_slice %arg9[%add3A_83, %dma_wait3A_146] : memref<250x80xi32, #tpu.memory_space<vmem>> -> memref<1x80xi32, #tpu.memory_space<vmem>>
        %dma_wait3A_148 = tpu.memref_squeeze %dma_wait3A_147 : memref<1x80xi32, #tpu.memory_space<vmem>> -> memref<80xi32, #tpu.memory_space<vmem>>
        %dma_wait3A_149 = arith.constant 0 : i32
        %dma_wait3A_150 = arith.constant 0 : i32
        %dma_wait3A_151 = tpu.memref_slice %arg6[%dma_wait3A_149, %dma_wait3A_150] : memref<10240x64xf32, #tpu.memory_space<vmem_shared>> -> memref<10240x64xf32, #tpu.memory_space<vmem_shared>>
        tpu.wait_indirect_dma semaphore(%run_scoped3A : memref<!tpu.dma_semaphore, #tpu.memory_space<semaphore_mem>>) src(%arg11 : memref<80x64xf32, #tpu.memory_space<vmem>>) dst(%dma_wait3A_151 : memref<10240x64xf32, #tpu.memory_space<vmem_shared>>)
        tpu.yield
      }) : () -> ()
      %lt3A_90 = arith.constant 49 : i32
      %lt3A_91 = arith.cmpi slt, %scan3A_67, %lt3A_90 : i32
      %convert_element_type3A_92 = arith.extui %lt3A_91 : i1 to i32
      %cond3A_93 = arith.constant 0 : i32
      %cond3A_94 = arith.cmpi ne, %convert_element_type3A_92, %cond3A_93 : i32
      scf.if %cond3A_94 {
        %add3A_140 = arith.constant 5 : i32
        %add3A_141 = arith.addi %add3A_83, %add3A_140 : i32
        %mul3A_142 = arith.constant 80 : i32
        %mul3A_143 = arith.muli %add3A_141, %mul3A_142 : i32
        %dma_start3A_144 = tpu.memref_slice %arg7[%mul3A_143] : memref<20000xi32, #tpu.memory_space<vmem>> -> memref<80xi32, #tpu.memory_space<vmem>>
        %dma_start3A_145 = arith.constant 0 : i32
        %dma_start3A_146 = arith.constant 0 : i32
        %dma_start3A_147 = tpu.memref_slice %arg2[%dma_start3A_145, %dma_start3A_146] : memref<20000x64xf32, #tpu.memory_space<hbm>> -> memref<20000x64xf32, #tpu.memory_space<hbm>>
        tpu.enqueue_indirect_dma source(%dma_start3A_147 : memref<20000x64xf32, #tpu.memory_space<hbm>>) target(%arg11 : memref<80x64xf32, #tpu.memory_space<vmem>>) offsets(%dma_start3A_144 : memref<80xi32, #tpu.memory_space<vmem>>) semaphore(%arg16 : memref<!tpu.dma_semaphore, #tpu.memory_space<semaphore_mem>>)
      } else {
      }
      %mul3A_95 = arith.constant 5 : i32
      %mul3A_96 = arith.muli %mul3A_95, %scan3A_67 : i32
      %add3A_97 = arith.constant 2 : i32
      %add3A_98 = arith.addi %mul3A_96, %add3A_97 : i32
      %mul3A_99 = arith.constant 80 : i32
      %mul3A_100 = arith.muli %add3A_98, %mul3A_99 : i32
      %dma_wait3A_101 = tpu.memref_slice %arg7[%mul3A_100] : memref<20000xi32, #tpu.memory_space<vmem>> -> memref<80xi32, #tpu.memory_space<vmem>>
      %dma_wait3A_102 = arith.constant 0 : i32
      %dma_wait3A_103 = arith.constant 0 : i32
      %dma_wait3A_104 = tpu.memref_slice %arg2[%dma_wait3A_102, %dma_wait3A_103] : memref<20000x64xf32, #tpu.memory_space<hbm>> -> memref<20000x64xf32, #tpu.memory_space<hbm>>
      tpu.wait_indirect_dma semaphore(%arg17 : memref<!tpu.dma_semaphore, #tpu.memory_space<semaphore_mem>>) src(%dma_wait3A_104 : memref<20000x64xf32, #tpu.memory_space<hbm>>) dst(%arg12 : memref<80x64xf32, #tpu.memory_space<vmem>>)
      "tpu.region"() ({
        %run_scoped3A = tpu.sem_alloc : memref<!tpu.dma_semaphore, #tpu.memory_space<semaphore_mem>>
        %dma_start3A_140 = arith.constant 0 : i32
        %dma_start3A_141 = tpu.memref_slice %arg9[%add3A_98, %dma_start3A_140] : memref<250x80xi32, #tpu.memory_space<vmem>> -> memref<1x80xi32, #tpu.memory_space<vmem>>
        %dma_start3A_142 = tpu.memref_squeeze %dma_start3A_141 : memref<1x80xi32, #tpu.memory_space<vmem>> -> memref<80xi32, #tpu.memory_space<vmem>>
        %dma_start3A_143 = arith.constant 0 : i32
        %dma_start3A_144 = arith.constant 0 : i32
        %dma_start3A_145 = tpu.memref_slice %arg6[%dma_start3A_143, %dma_start3A_144] : memref<10240x64xf32, #tpu.memory_space<vmem_shared>> -> memref<10240x64xf32, #tpu.memory_space<vmem_shared>>
        tpu.enqueue_indirect_dma source(%arg12 : memref<80x64xf32, #tpu.memory_space<vmem>>) target(%dma_start3A_145 : memref<10240x64xf32, #tpu.memory_space<vmem_shared>>) offsets(%dma_start3A_142 : memref<80xi32, #tpu.memory_space<vmem>>) semaphore(%run_scoped3A : memref<!tpu.dma_semaphore, #tpu.memory_space<semaphore_mem>>) {add = true}
        %dma_wait3A_146 = arith.constant 0 : i32
        %dma_wait3A_147 = tpu.memref_slice %arg9[%add3A_98, %dma_wait3A_146] : memref<250x80xi32, #tpu.memory_space<vmem>> -> memref<1x80xi32, #tpu.memory_space<vmem>>
        %dma_wait3A_148 = tpu.memref_squeeze %dma_wait3A_147 : memref<1x80xi32, #tpu.memory_space<vmem>> -> memref<80xi32, #tpu.memory_space<vmem>>
        %dma_wait3A_149 = arith.constant 0 : i32
        %dma_wait3A_150 = arith.constant 0 : i32
        %dma_wait3A_151 = tpu.memref_slice %arg6[%dma_wait3A_149, %dma_wait3A_150] : memref<10240x64xf32, #tpu.memory_space<vmem_shared>> -> memref<10240x64xf32, #tpu.memory_space<vmem_shared>>
        tpu.wait_indirect_dma semaphore(%run_scoped3A : memref<!tpu.dma_semaphore, #tpu.memory_space<semaphore_mem>>) src(%arg12 : memref<80x64xf32, #tpu.memory_space<vmem>>) dst(%dma_wait3A_151 : memref<10240x64xf32, #tpu.memory_space<vmem_shared>>)
        tpu.yield
      }) : () -> ()
      %lt3A_105 = arith.constant 49 : i32
      %lt3A_106 = arith.cmpi slt, %scan3A_67, %lt3A_105 : i32
      %convert_element_type3A_107 = arith.extui %lt3A_106 : i1 to i32
      %cond3A_108 = arith.constant 0 : i32
      %cond3A_109 = arith.cmpi ne, %convert_element_type3A_107, %cond3A_108 : i32
      scf.if %cond3A_109 {
        %add3A_140 = arith.constant 5 : i32
        %add3A_141 = arith.addi %add3A_98, %add3A_140 : i32
        %mul3A_142 = arith.constant 80 : i32
        %mul3A_143 = arith.muli %add3A_141, %mul3A_142 : i32
        %dma_start3A_144 = tpu.memref_slice %arg7[%mul3A_143] : memref<20000xi32, #tpu.memory_space<vmem>> -> memref<80xi32, #tpu.memory_space<vmem>>
        %dma_start3A_145 = arith.constant 0 : i32
        %dma_start3A_146 = arith.constant 0 : i32
        %dma_start3A_147 = tpu.memref_slice %arg2[%dma_start3A_145, %dma_start3A_146] : memref<20000x64xf32, #tpu.memory_space<hbm>> -> memref<20000x64xf32, #tpu.memory_space<hbm>>
        tpu.enqueue_indirect_dma source(%dma_start3A_147 : memref<20000x64xf32, #tpu.memory_space<hbm>>) target(%arg12 : memref<80x64xf32, #tpu.memory_space<vmem>>) offsets(%dma_start3A_144 : memref<80xi32, #tpu.memory_space<vmem>>) semaphore(%arg17 : memref<!tpu.dma_semaphore, #tpu.memory_space<semaphore_mem>>)
      } else {
      }
      %mul3A_110 = arith.constant 5 : i32
      %mul3A_111 = arith.muli %mul3A_110, %scan3A_67 : i32
      %add3A_112 = arith.constant 3 : i32
      %add3A_113 = arith.addi %mul3A_111, %add3A_112 : i32
      %mul3A_114 = arith.constant 80 : i32
      %mul3A_115 = arith.muli %add3A_113, %mul3A_114 : i32
      %dma_wait3A_116 = tpu.memref_slice %arg7[%mul3A_115] : memref<20000xi32, #tpu.memory_space<vmem>> -> memref<80xi32, #tpu.memory_space<vmem>>
      %dma_wait3A_117 = arith.constant 0 : i32
      %dma_wait3A_118 = arith.constant 0 : i32
      %dma_wait3A_119 = tpu.memref_slice %arg2[%dma_wait3A_117, %dma_wait3A_118] : memref<20000x64xf32, #tpu.memory_space<hbm>> -> memref<20000x64xf32, #tpu.memory_space<hbm>>
      tpu.wait_indirect_dma semaphore(%arg18 : memref<!tpu.dma_semaphore, #tpu.memory_space<semaphore_mem>>) src(%dma_wait3A_119 : memref<20000x64xf32, #tpu.memory_space<hbm>>) dst(%arg13 : memref<80x64xf32, #tpu.memory_space<vmem>>)
      "tpu.region"() ({
        %run_scoped3A = tpu.sem_alloc : memref<!tpu.dma_semaphore, #tpu.memory_space<semaphore_mem>>
        %dma_start3A_140 = arith.constant 0 : i32
        %dma_start3A_141 = tpu.memref_slice %arg9[%add3A_113, %dma_start3A_140] : memref<250x80xi32, #tpu.memory_space<vmem>> -> memref<1x80xi32, #tpu.memory_space<vmem>>
        %dma_start3A_142 = tpu.memref_squeeze %dma_start3A_141 : memref<1x80xi32, #tpu.memory_space<vmem>> -> memref<80xi32, #tpu.memory_space<vmem>>
        %dma_start3A_143 = arith.constant 0 : i32
        %dma_start3A_144 = arith.constant 0 : i32
        %dma_start3A_145 = tpu.memref_slice %arg6[%dma_start3A_143, %dma_start3A_144] : memref<10240x64xf32, #tpu.memory_space<vmem_shared>> -> memref<10240x64xf32, #tpu.memory_space<vmem_shared>>
        tpu.enqueue_indirect_dma source(%arg13 : memref<80x64xf32, #tpu.memory_space<vmem>>) target(%dma_start3A_145 : memref<10240x64xf32, #tpu.memory_space<vmem_shared>>) offsets(%dma_start3A_142 : memref<80xi32, #tpu.memory_space<vmem>>) semaphore(%run_scoped3A : memref<!tpu.dma_semaphore, #tpu.memory_space<semaphore_mem>>) {add = true}
        %dma_wait3A_146 = arith.constant 0 : i32
        %dma_wait3A_147 = tpu.memref_slice %arg9[%add3A_113, %dma_wait3A_146] : memref<250x80xi32, #tpu.memory_space<vmem>> -> memref<1x80xi32, #tpu.memory_space<vmem>>
        %dma_wait3A_148 = tpu.memref_squeeze %dma_wait3A_147 : memref<1x80xi32, #tpu.memory_space<vmem>> -> memref<80xi32, #tpu.memory_space<vmem>>
        %dma_wait3A_149 = arith.constant 0 : i32
        %dma_wait3A_150 = arith.constant 0 : i32
        %dma_wait3A_151 = tpu.memref_slice %arg6[%dma_wait3A_149, %dma_wait3A_150] : memref<10240x64xf32, #tpu.memory_space<vmem_shared>> -> memref<10240x64xf32, #tpu.memory_space<vmem_shared>>
        tpu.wait_indirect_dma semaphore(%run_scoped3A : memref<!tpu.dma_semaphore, #tpu.memory_space<semaphore_mem>>) src(%arg13 : memref<80x64xf32, #tpu.memory_space<vmem>>) dst(%dma_wait3A_151 : memref<10240x64xf32, #tpu.memory_space<vmem_shared>>)
        tpu.yield
      }) : () -> ()
      %lt3A_120 = arith.constant 49 : i32
      %lt3A_121 = arith.cmpi slt, %scan3A_67, %lt3A_120 : i32
      %convert_element_type3A_122 = arith.extui %lt3A_121 : i1 to i32
      %cond3A_123 = arith.constant 0 : i32
      %cond3A_124 = arith.cmpi ne, %convert_element_type3A_122, %cond3A_123 : i32
      scf.if %cond3A_124 {
        %add3A_140 = arith.constant 5 : i32
        %add3A_141 = arith.addi %add3A_113, %add3A_140 : i32
        %mul3A_142 = arith.constant 80 : i32
        %mul3A_143 = arith.muli %add3A_141, %mul3A_142 : i32
        %dma_start3A_144 = tpu.memref_slice %arg7[%mul3A_143] : memref<20000xi32, #tpu.memory_space<vmem>> -> memref<80xi32, #tpu.memory_space<vmem>>
        %dma_start3A_145 = arith.constant 0 : i32
        %dma_start3A_146 = arith.constant 0 : i32
        %dma_start3A_147 = tpu.memref_slice %arg2[%dma_start3A_145, %dma_start3A_146] : memref<20000x64xf32, #tpu.memory_space<hbm>> -> memref<20000x64xf32, #tpu.memory_space<hbm>>
        tpu.enqueue_indirect_dma source(%dma_start3A_147 : memref<20000x64xf32, #tpu.memory_space<hbm>>) target(%arg13 : memref<80x64xf32, #tpu.memory_space<vmem>>) offsets(%dma_start3A_144 : memref<80xi32, #tpu.memory_space<vmem>>) semaphore(%arg18 : memref<!tpu.dma_semaphore, #tpu.memory_space<semaphore_mem>>)
      } else {
      }
      %mul3A_125 = arith.constant 5 : i32
      %mul3A_126 = arith.muli %mul3A_125, %scan3A_67 : i32
      %add3A_127 = arith.constant 4 : i32
      %add3A_128 = arith.addi %mul3A_126, %add3A_127 : i32
      %mul3A_129 = arith.constant 80 : i32
      %mul3A_130 = arith.muli %add3A_128, %mul3A_129 : i32
      %dma_wait3A_131 = tpu.memref_slice %arg7[%mul3A_130] : memref<20000xi32, #tpu.memory_space<vmem>> -> memref<80xi32, #tpu.memory_space<vmem>>
      %dma_wait3A_132 = arith.constant 0 : i32
      %dma_wait3A_133 = arith.constant 0 : i32
      %dma_wait3A_134 = tpu.memref_slice %arg2[%dma_wait3A_132, %dma_wait3A_133] : memref<20000x64xf32, #tpu.memory_space<hbm>> -> memref<20000x64xf32, #tpu.memory_space<hbm>>
      tpu.wait_indirect_dma semaphore(%arg19 : memref<!tpu.dma_semaphore, #tpu.memory_space<semaphore_mem>>) src(%dma_wait3A_134 : memref<20000x64xf32, #tpu.memory_space<hbm>>) dst(%arg14 : memref<80x64xf32, #tpu.memory_space<vmem>>)
      "tpu.region"() ({
        %run_scoped3A = tpu.sem_alloc : memref<!tpu.dma_semaphore, #tpu.memory_space<semaphore_mem>>
        %dma_start3A_140 = arith.constant 0 : i32
        %dma_start3A_141 = tpu.memref_slice %arg9[%add3A_128, %dma_start3A_140] : memref<250x80xi32, #tpu.memory_space<vmem>> -> memref<1x80xi32, #tpu.memory_space<vmem>>
        %dma_start3A_142 = tpu.memref_squeeze %dma_start3A_141 : memref<1x80xi32, #tpu.memory_space<vmem>> -> memref<80xi32, #tpu.memory_space<vmem>>
        %dma_start3A_143 = arith.constant 0 : i32
        %dma_start3A_144 = arith.constant 0 : i32
        %dma_start3A_145 = tpu.memref_slice %arg6[%dma_start3A_143, %dma_start3A_144] : memref<10240x64xf32, #tpu.memory_space<vmem_shared>> -> memref<10240x64xf32, #tpu.memory_space<vmem_shared>>
        tpu.enqueue_indirect_dma source(%arg14 : memref<80x64xf32, #tpu.memory_space<vmem>>) target(%dma_start3A_145 : memref<10240x64xf32, #tpu.memory_space<vmem_shared>>) offsets(%dma_start3A_142 : memref<80xi32, #tpu.memory_space<vmem>>) semaphore(%run_scoped3A : memref<!tpu.dma_semaphore, #tpu.memory_space<semaphore_mem>>) {add = true}
        %dma_wait3A_146 = arith.constant 0 : i32
        %dma_wait3A_147 = tpu.memref_slice %arg9[%add3A_128, %dma_wait3A_146] : memref<250x80xi32, #tpu.memory_space<vmem>> -> memref<1x80xi32, #tpu.memory_space<vmem>>
        %dma_wait3A_148 = tpu.memref_squeeze %dma_wait3A_147 : memref<1x80xi32, #tpu.memory_space<vmem>> -> memref<80xi32, #tpu.memory_space<vmem>>
        %dma_wait3A_149 = arith.constant 0 : i32
        %dma_wait3A_150 = arith.constant 0 : i32
        %dma_wait3A_151 = tpu.memref_slice %arg6[%dma_wait3A_149, %dma_wait3A_150] : memref<10240x64xf32, #tpu.memory_space<vmem_shared>> -> memref<10240x64xf32, #tpu.memory_space<vmem_shared>>
        tpu.wait_indirect_dma semaphore(%run_scoped3A : memref<!tpu.dma_semaphore, #tpu.memory_space<semaphore_mem>>) src(%arg14 : memref<80x64xf32, #tpu.memory_space<vmem>>) dst(%dma_wait3A_151 : memref<10240x64xf32, #tpu.memory_space<vmem_shared>>)
        tpu.yield
      }) : () -> ()
      %lt3A_135 = arith.constant 49 : i32
      %lt3A_136 = arith.cmpi slt, %scan3A_67, %lt3A_135 : i32
      %convert_element_type3A_137 = arith.extui %lt3A_136 : i1 to i32
      %cond3A_138 = arith.constant 0 : i32
      %cond3A_139 = arith.cmpi ne, %convert_element_type3A_137, %cond3A_138 : i32
      scf.if %cond3A_139 {
        %add3A_140 = arith.constant 5 : i32
        %add3A_141 = arith.addi %add3A_128, %add3A_140 : i32
        %mul3A_142 = arith.constant 80 : i32
        %mul3A_143 = arith.muli %add3A_141, %mul3A_142 : i32
        %dma_start3A_144 = tpu.memref_slice %arg7[%mul3A_143] : memref<20000xi32, #tpu.memory_space<vmem>> -> memref<80xi32, #tpu.memory_space<vmem>>
        %dma_start3A_145 = arith.constant 0 : i32
        %dma_start3A_146 = arith.constant 0 : i32
        %dma_start3A_147 = tpu.memref_slice %arg2[%dma_start3A_145, %dma_start3A_146] : memref<20000x64xf32, #tpu.memory_space<hbm>> -> memref<20000x64xf32, #tpu.memory_space<hbm>>
        tpu.enqueue_indirect_dma source(%dma_start3A_147 : memref<20000x64xf32, #tpu.memory_space<hbm>>) target(%arg14 : memref<80x64xf32, #tpu.memory_space<vmem>>) offsets(%dma_start3A_144 : memref<80xi32, #tpu.memory_space<vmem>>) semaphore(%arg19 : memref<!tpu.dma_semaphore, #tpu.memory_space<semaphore_mem>>)
      } else {
      }
    }
    %scan3A_59 = arith.constant 50 : i32
    %barrier3A_60 = arith.constant 0 : index
    tpu.barrier barrier_id(%barrier3A_60)
    %mul3A_61 = arith.constant 640 : i32
    %mul3A_62 = arith.muli %arg1, %mul3A_61 : i32
    %mul3A_63 = arith.constant 640 : i32
    %mul3A_64 = arith.muli %arg1, %mul3A_63 : i32
    %mul3A_65 = arith.constant 64 : i32
    %mul3A_66 = arith.muli %arg0, %mul3A_65 : i32
    "tpu.region"() ({
      %run_scoped3A = tpu.sem_alloc : memref<!tpu.dma_semaphore, #tpu.memory_space<semaphore_mem>>
      %dma_start3A_67 = tpu.memref_slice %arg5[%mul3A_64, %mul3A_66] : memref<10240x128xf32, #tpu.memory_space<hbm>> -> memref<640x64xf32, #tpu.memory_space<hbm>>
      %dma_start3A_68 = arith.constant 0 : i32
      %dma_start3A_69 = tpu.memref_slice %arg6[%mul3A_62, %dma_start3A_68] : memref<10240x64xf32, #tpu.memory_space<vmem_shared>> -> memref<640x64xf32, #tpu.memory_space<vmem_shared>>
      tpu.enqueue_dma source(%dma_start3A_69 : memref<640x64xf32, #tpu.memory_space<vmem_shared>>) target(%dma_start3A_67 : memref<640x64xf32, #tpu.memory_space<hbm>>) target_semaphore(%run_scoped3A : memref<!tpu.dma_semaphore, #tpu.memory_space<semaphore_mem>>)
      %dma_wait3A_70 = tpu.memref_slice %arg5[%mul3A_64, %mul3A_66] : memref<10240x128xf32, #tpu.memory_space<hbm>> -> memref<640x64xf32, #tpu.memory_space<hbm>>
      %dma_wait3A_71 = arith.constant 0 : i32
      %dma_wait3A_72 = tpu.memref_slice %arg6[%mul3A_62, %dma_wait3A_71] : memref<10240x64xf32, #tpu.memory_space<vmem_shared>> -> memref<640x64xf32, #tpu.memory_space<vmem_shared>>
      tpu.wait_dma2 semaphore(%run_scoped3A : memref<!tpu.dma_semaphore, #tpu.memory_space<semaphore_mem>>) src(%dma_wait3A_72 : memref<640x64xf32, #tpu.memory_space<vmem_shared>>) dst(%dma_wait3A_70 : memref<640x64xf32, #tpu.memory_space<hbm>>)
      tpu.yield
    }) : () -> ()
    return
  }
}

module attributes {stable_mosaic.version = 14 : i64} {
  func.func @_mlp_body(%arg0: i32, %arg1: memref<1x1xf32, #tpu.memory_space<vmem>>, %arg2: memref<2000x128xf32, #tpu.memory_space<vmem>>, %arg3: memref<2000x128xf32, #tpu.memory_space<vmem>>, %arg4: memref<128x128xf32, #tpu.memory_space<vmem>>, %arg5: memref<1x128xf32, #tpu.memory_space<vmem>>, %arg6: memref<128x128xf32, #tpu.memory_space<vmem>>, %arg7: memref<1x128xf32, #tpu.memory_space<vmem>>, %arg8: memref<2000x128xf32, #tpu.memory_space<vmem>>) attributes {dimension_semantics = [#tpu.dimension_semantics<arbitrary>], iteration_bounds = array<i64: 5>, scalar_prefetch = 0 : i64, scratch_operands = 0 : i64, tpu.core_type = #tpu.core_type<tc>, window_params = [{pipeline_mode = #tpu.pipeline_mode<synchronous>, transform_indices = @transform_0, window_bounds = array<i64: 1, 1>}, {transform_indices = @transform_1, window_bounds = array<i64: 2000, 128>}, {transform_indices = @transform_2, window_bounds = array<i64: 2000, 128>}, {pipeline_mode = #tpu.pipeline_mode<synchronous>, transform_indices = @transform_3, window_bounds = array<i64: 128, 128>}, {pipeline_mode = #tpu.pipeline_mode<synchronous>, transform_indices = @transform_4, window_bounds = array<i64: 1, 128>}, {pipeline_mode = #tpu.pipeline_mode<synchronous>, transform_indices = @transform_5, window_bounds = array<i64: 128, 128>}, {pipeline_mode = #tpu.pipeline_mode<synchronous>, transform_indices = @transform_6, window_bounds = array<i64: 1, 128>}, {transform_indices = @transform_7, window_bounds = array<i64: 2000, 128>}]} {
    %get3A = arith.constant 0 : index
    %get3A_0 = arith.constant 0 : index
    %get3A_1 = vector.load %arg1[%get3A, %get3A_0] : memref<1x1xf32, #tpu.memory_space<vmem>>, vector<1x1xf32>
    %get3A_2 = vector.extract %get3A_1[0, 0] : f32 from vector<1x1xf32>
    %add3A = arith.constant 2.000000e+00 : f32
    %add3A_3 = arith.addf %add3A, %get3A_2 : f32
    %get3A_4 = arith.constant 0 : index
    %get3A_5 = arith.constant 0 : index
    %get3A_6 = vector.load %arg2[%get3A_4, %get3A_5] : memref<2000x128xf32, #tpu.memory_space<vmem>>, vector<2000x128xf32>
    %mul3A = vector.broadcast %add3A_3 : f32 to vector<2000x128xf32>
    %mul3A_7 = arith.mulf %mul3A, %get3A_6 : vector<2000x128xf32>
    %get3A_8 = arith.constant 0 : index
    %get3A_9 = arith.constant 0 : index
    %get3A_10 = vector.load %arg3[%get3A_8, %get3A_9] : memref<2000x128xf32, #tpu.memory_space<vmem>>, vector<2000x128xf32>
    %add3A_11 = arith.addf %mul3A_7, %get3A_10 : vector<2000x128xf32>
    %get3A_12 = arith.constant 0 : index
    %get3A_13 = arith.constant 0 : index
    %get3A_14 = vector.load %arg4[%get3A_12, %get3A_13] : memref<128x128xf32, #tpu.memory_space<vmem>>, vector<128x128xf32>
    %dot_general3A = arith.constant dense<0.000000e+00> : vector<2000x128xf32>
    %dot_general3A_15 = tpu.matmul %add3A_11, %get3A_14, %dot_general3A {dimension_numbers = #tpu.dot_dimension_numbers<[1], [0], [0], [1], [0, 0, 1, 1], [], []>, transpose_lhs_hint = false} : vector<2000x128xf32>, vector<128x128xf32>, vector<2000x128xf32> -> vector<2000x128xf32>
    %get3A_16 = arith.constant 0 : index
    %get3A_17 = arith.constant 0 : index
    %get3A_18 = vector.load %arg5[%get3A_16, %get3A_17] : memref<1x128xf32, #tpu.memory_space<vmem>>, vector<1x128xf32>
    %add3A_19 = vector.broadcast %get3A_18 : vector<1x128xf32> to vector<2000x128xf32>
    %add3A_20 = arith.addf %dot_general3A_15, %add3A_19 : vector<2000x128xf32>
    %max3A = arith.constant 0.000000e+00 : f32
    %max3A_21 = vector.broadcast %max3A : f32 to vector<2000x128xf32>
    %max3A_22 = arith.maximumf %add3A_20, %max3A_21 : vector<2000x128xf32>
    %get3A_23 = arith.constant 0 : index
    %get3A_24 = arith.constant 0 : index
    %get3A_25 = vector.load %arg6[%get3A_23, %get3A_24] : memref<128x128xf32, #tpu.memory_space<vmem>>, vector<128x128xf32>
    %dot_general3A_26 = arith.constant dense<0.000000e+00> : vector<2000x128xf32>
    %dot_general3A_27 = tpu.matmul %max3A_22, %get3A_25, %dot_general3A_26 {dimension_numbers = #tpu.dot_dimension_numbers<[1], [0], [0], [1], [0, 0, 1, 1], [], []>, transpose_lhs_hint = false} : vector<2000x128xf32>, vector<128x128xf32>, vector<2000x128xf32> -> vector<2000x128xf32>
    %get3A_28 = arith.constant 0 : index
    %get3A_29 = arith.constant 0 : index
    %get3A_30 = vector.load %arg7[%get3A_28, %get3A_29] : memref<1x128xf32, #tpu.memory_space<vmem>>, vector<1x128xf32>
    %add3A_31 = vector.broadcast %get3A_30 : vector<1x128xf32> to vector<2000x128xf32>
    %add3A_32 = arith.addf %dot_general3A_27, %add3A_31 : vector<2000x128xf32>
    %swap3A = arith.constant 0 : index
    %swap3A_33 = arith.constant 0 : index
    %swap3A_34 = vector.load %arg8[%swap3A, %swap3A_33] : memref<2000x128xf32, #tpu.memory_space<vmem>>, vector<2000x128xf32>
    tpu.vector_store %arg8[%swap3A, %swap3A_33], %add3A_32 {strides = array<i32>} : memref<2000x128xf32, #tpu.memory_space<vmem>>, vector<2000x128xf32>,
    return
  }
  func.func @transform_0(%arg0: i32) -> (i32, i32) {
    %c0_i32 = arith.constant 0 : i32
    %c0_i32_0 = arith.constant 0 : i32
    %c0_i32_1 = arith.constant 0 : i32
    return %c0_i32, %c0_i32_0 : i32, i32
  }
  func.func @transform_1(%arg0: i32) -> (i32, i32) {
    %c0_i32 = arith.constant 0 : i32
    %c0_i32_0 = arith.constant 0 : i32
    return %arg0, %c0_i32 : i32, i32
  }
  func.func @transform_2(%arg0: i32) -> (i32, i32) {
    %c0_i32 = arith.constant 0 : i32
    %c0_i32_0 = arith.constant 0 : i32
    return %arg0, %c0_i32 : i32, i32
  }
  func.func @transform_3(%arg0: i32) -> (i32, i32) {
    %c0_i32 = arith.constant 0 : i32
    %c0_i32_0 = arith.constant 0 : i32
    %c0_i32_1 = arith.constant 0 : i32
    return %c0_i32, %c0_i32_0 : i32, i32
  }
  func.func @transform_4(%arg0: i32) -> (i32, i32) {
    %c0_i32 = arith.constant 0 : i32
    %c0_i32_0 = arith.constant 0 : i32
    %c0_i32_1 = arith.constant 0 : i32
    return %c0_i32, %c0_i32_0 : i32, i32
  }
  func.func @transform_5(%arg0: i32) -> (i32, i32) {
    %c0_i32 = arith.constant 0 : i32
    %c0_i32_0 = arith.constant 0 : i32
    %c0_i32_1 = arith.constant 0 : i32
    return %c0_i32, %c0_i32_0 : i32, i32
  }
  func.func @transform_6(%arg0: i32) -> (i32, i32) {
    %c0_i32 = arith.constant 0 : i32
    %c0_i32_0 = arith.constant 0 : i32
    %c0_i32_1 = arith.constant 0 : i32
    return %c0_i32, %c0_i32_0 : i32, i32
  }
  func.func @transform_7(%arg0: i32) -> (i32, i32) {
    %c0_i32 = arith.constant 0 : i32
    %c0_i32_0 = arith.constant 0 : i32
    return %arg0, %c0_i32 : i32, i32
  }
}

</mosaic_0001>

<sc_bundles>
// kernel: kernel.4.cloned.1.call-start
scs
__scs_entry_jumppad:
0x0: {  	(pc) =	sbr.rel $0x88, $3  }
0x1: {  	(tag) =	ssettag $0x0;
	lr =	simm.s32 $0x1  }
0x2: {  	[smem:$0x3F9A] =	sst lr;
	_ =	strace $0xD0000000  }
0x3: {  	_ = 	snop  }
0x4: {  	_ = 	snop  }
0x5: {  	_ = 	snop  }
0x6: {  	_ = 	snop  }
0x7: {  	_ = 	snop  }
__scs_overlays_trampoline_lowered:
0x8: {  	[smem:$0x3FA9] =	sst s0  }
0x9: {  	[smem:$0x3FAA] =	sst s1  }
0xa: {  	[smem:$0x3FAB] =	sst s2  }
0xb: {  	[smem:$0x3FAC] =	sst s3  }
0xc: {  	[smem:$0x3FAD] =	sst s4  }
0xd: {  	[smem:$0x3FAE] =	sst s5  }
0xe: {  	[smem:$0x3FAF] =	sst s6  }
0xf: {  	[smem:$0x3FB0] =	sst s7  }
0x10: {  	[smem:$0x3FB1] =	sst s8  }
0x11: {  	[smem:$0x3FB2] =	sst s9;
	s0 =	simm.s32 @!p0 $0x0  }
0x12: {  	s1 =	sld [smem:$0x3F98];
	s0 =	simm.s32 @p0 $0x1  }
0x13: {  	[smem:$0x3FB3] =	sst s0;
	s0 =	simm.s32 @!p1 $0x0  }
0x14: {  	s2 =	sld [smem:$0x3F97];
	s0 =	simm.s32 @p1 $0x1  }
0x15: {  	[smem:$0x3FB4] =	sst s0;
	s0 =	simm.s32 @!p2 $0x0  }
0x16: {  	s3 =	sld [smem:$0x3FDB];
	s0 =	simm.s32 @p2 $0x1  }
0x17: {  	s4 =	simm.s32 $0x1BF5;
	[smem:$0x3FB6] =	sst s0  }
0x18: {  	s0 =	sld [smem:$0x3F99];
	_ =	swait.ge [sflag:s4], $0x0  }
0x19: {  	s7 =	sld [smem:$0x3F9A]  }
0x1a: {  	s8 =	sadd.s32 $0xFFFFE003, lr  }
0x1b: {  	s9 =	sadd.s32 $0xFFFFFEF7, lr;
	s5 =	simm.s32 $0xFFFFFFFF;
	p2 =	slt.u32 s8, $0xFFFFF086  }
0x1c: {  	p1 =	slt.u32 s9, $0xF7A;
	s5 =	simm.s32 @!p2 $0x0  }
0x1d: {  	s5 =	simm.s32 @p1 $0x1;
	p0 =	seq.s32 s7, s2  }
0x1e: {  	s7 =	smul.u32 @!p0 $0xF7A, s2;
	p2 =	seq.s32 @!p0 s5, $0x0  }
0x1f: {  	s9 =	smul.u32 $0xF7A, s1;
	s8 =	simm.s32 @!p0 $0x1BF5;
	p2 =	por !p2, p0  }
0x20: {  	[sflag:s8] =	ssyncset.s32 @!p0 $0xFFFFF086;
	s6 =	sadd.s32 @!p0 s3, s7;
	s7 =	simm.s32 @!p0 $0x108  }
0x21: {  	s3 =	sadd.s32 s3, s9;
	s6 =	sadd.s32 @!p0 $0x88, s6;
	s7 =	simm.s32 @p2 $0x1082  }
0x22: {  	[simem:s7], [sflag:s8] =	dma.local @!p0 [hbm:s6], $0xF7A  }
0x23: {  	s9 =	sor.u32 $0xD0000000, s2;
	s6 =	simm.s32 $0x108;
	_ =	swait.ge @!p0 [sflag:s8], $0x0  }
0x24: {  	s3 =	sadd.s32 $0x88, s3;
	s6 =	simm.s32 @!p1 $0x1082;
	[sflag:s4] =	ssyncset.s32 $0xFFFFF086  }
0x25: {  	[simem:s6], [sflag:s4] =	dma.local [hbm:s3], $0xF7A  }
0x26: {  	[smem:$0x3F9A] =	sst s1;
	(tag) =	ssettag s2;
	_ =	strace s9  }
0x27: {  	s1 =	sld [smem:$0x3FAA]  }
0x28: {  	s2 =	sld [smem:$0x3FAB]  }
0x29: {  	s4 =	sld [smem:$0x3FAD]  }
0x2a: {  	p0 =	seq.s32 s5, $0x0;
	s5 =	sld [smem:$0x3FAE]  }
0x2b: {  	s6 =	sld [smem:$0x3FAF]  }
0x2c: {  	s7 =	sld [smem:$0x3FB0]  }
0x2d: {  	s3 =	simm.s32 $0x108;
	s8 =	sld [smem:$0x3FB1]  }
0x2e: {  	s3 =	simm.s32 @!p0 $0x1082;
	s9 =	sld [smem:$0x3FB2]  }
0x2f: {  	lr =	sadd.s32 s0, s3;
	s0 =	sld [smem:$0x3FA9]  }
0x30: {  	s3 =	sld [smem:$0x3FAC]  }
0x31: {  	[smem:$0x3FB5] =	sst s10  }
0x32: {  	s10 =	sld [smem:$0x3FB3];
	_ =	sdelay $0x3  }
0x33: {  	p0 =	seq.s32 s10, $0x1;
	s10 =	sld [smem:$0x3FB5];
	_ =	sdelay $0x3  }
0x34: {  	[smem:$0x3FB5] =	sst s10  }
0x35: {  	s10 =	sld [smem:$0x3FB4];
	_ =	sdelay $0x3  }
0x36: {  	p1 =	seq.s32 s10, $0x1;
	s10 =	sld [smem:$0x3FB5];
	_ =	sdelay $0x3  }
0x37: {  	[smem:$0x3FB5] =	sst s10  }
0x38: {  	s10 =	sld [smem:$0x3FB6]  }
0x39: {  	_ = 	snop;
	(pc) =	sbr.ind lr, $3  }
0x3a: {  	_ = 	snop  }
0x3b: {  	_ = 	snop  }
0x3c: {  	p2 =	seq.s32 s10, $0x1;
	s10 =	sld [smem:$0x3FB5]  }
0x3d: {  	_ =	shalt  }
0x3e: {  	_ =	shalt  }
0x3f: {  	_ =	shalt  }
0x40: {  	_ =	shalt  }
0x41: {  	_ =	shalt  }
0x42: {  	_ =	shalt  }
0x43: {  	_ =	shalt  }
0x44: {  	_ =	shalt  }
0x45: {  	_ =	shalt  }
0x46: {  	_ =	shalt  }
0x47: {  	_ =	shalt  }
0x48: {  	_ =	shalt  }
0x49: {  	_ =	shalt  }
0x4a: {  	_ =	shalt  }
0x4b: {  	_ =	shalt  }
0x4c: {  	_ =	shalt  }
0x4d: {  	_ =	shalt  }
0x4e: {  	_ =	shalt  }
0x4f: {  	_ =	shalt  }
0x50: {  	_ =	shalt  }
0x51: {  	_ =	shalt  }
0x52: {  	_ =	shalt  }
0x53: {  	_ =	shalt  }
0x54: {  	_ =	shalt  }
0x55: {  	_ =	shalt  }
0x56: {  	_ =	shalt  }
0x57: {  	_ =	shalt  }
0x58: {  	_ =	shalt  }
0x59: {  	_ =	shalt  }
0x5a: {  	_ =	shalt  }
0x5b: {  	_ =	shalt  }
0x5c: {  	_ =	shalt  }
0x5d: {  	_ =	shalt  }
0x5e: {  	_ =	shalt  }
0x5f: {  	_ =	shalt  }
0x60: {  	_ =	shalt  }
0x61: {  	_ =	shalt  }
0x62: {  	_ =	shalt  }
0x63: {  	_ =	shalt  }
0x64: {  	_ =	shalt  }
0x65: {  	_ =	shalt  }
0x66: {  	_ =	shalt  }
0x67: {  	_ =	shalt  }
0x68: {  	_ =	shalt  }
0x69: {  	_ =	shalt  }
0x6a: {  	_ =	shalt  }
0x6b: {  	_ =	shalt  }
0x6c: {  	_ =	shalt  }
0x6d: {  	_ =	shalt  }
0x6e: {  	_ =	shalt  }
0x6f: {  	_ =	shalt  }
0x70: {  	_ =	shalt  }
0x71: {  	_ =	shalt  }
0x72: {  	_ =	shalt  }
0x73: {  	_ =	shalt  }
0x74: {  	_ =	shalt  }
0x75: {  	_ =	shalt  }
0x76: {  	_ =	shalt  }
0x77: {  	_ =	shalt  }
0x78: {  	_ =	shalt  }
0x79: {  	_ =	shalt  }
0x7a: {  	_ =	shalt  }
0x7b: {  	_ =	shalt  }
0x7c: {  	_ =	shalt  }
0x7d: {  	_ =	shalt  }
0x7e: {  	_ =	shalt  }
0x7f: {  	_ =	shalt  }
0x80: {  	_ =	shalt  }
0x81: {  	_ =	shalt  }
0x82: {  	_ =	shalt  }
0x83: {  	_ =	shalt  }
0x84: {  	_ =	shalt  }
0x85: {  	_ =	shalt  }
0x86: {  	_ =	shalt  }
0x87: {  	_ =	shalt  }
.Lfunc_end0:
.L_simem_size_0:
called_computation_lowered:
.L_overlay_start_0:
0x88: {  	s2 =	sld [smem:$0x3FD9]  }
0x89: {  	s3 =	sld [smem:$0x3FFE];
	_ =	sdelay $0x1  }
0x8a: {  	s1 =	srdreg.scid  }
0x8b: {  	s0 =	sand.u32 $0x1, s1  }
0x8c: {  	s17 =	sshll.u32 s0, $0xA;
	s2 =	sadd.s32 s3, s2  }
0x8d: {  	s2 =	sadd.s32 s2, s17  }
0x8e: {  	[smem:$0x3FC1] =	sst s2  }
0x8f: {  	_ = 	snop  }
0x90: {  	s2 =	sld [smem:$0x3FC9]  }
0x91: {  	s18 =	sld [smem:$0x3FD0];
	(tm) =	ssettm $0x1  }
0x92: {  	s4 =	sld [smem:$0x3FFB];
	_ =	sdelay $0x3  }
0x93: {  	_ =	strace s4  }
0x94: {  	s4 =	sld [smem:$0x3FFC];
	_ =	sdelay $0x3  }
0x95: {  	_ =	strace s4  }
0x96: {  	s4 =	sld [smem:$0x3FFD];
	_ =	sdelay $0x3  }
0x97: {  	_ =	strace s4  }
0x98: {  	_ =	strace $0x8FFFFFFF  }
0x99: {  	s19 =	sld [smem:$0x3FDB];
	_ =	sdelay $0x1  }
0x9a: {  	s5 =	simm.s32 $_scs_section_size  }
0x9b: {  	s6 =	simm.s32 $_size__tile_overlayer_lowered;
	s7 =	simm.s32 $_tile_overlayer_lowered  }
0x9c: {  	s22 =	simm.s32 $0x1BFF;
	s21 =	sshll.u32 s7, $0x1;
	s4 =	sadd.s32 s5, s19  }
0x9d: {  	s8 =	simm.s32 $0x0;
	s20 =	sshll.u32 s6, $0x1;
	s6 =	sadd.s32 s21, s4  }
0x9e: {  	[timem:s8], [sflag:s22] =	dma.local [hbm:s6], s20  }
0x9f: {  	_ =	swait.ge [sflag:s22], s20  }
0xa0: {  	s5 =	ssub.s32 $0x0, s20;
	[sflag:s22] =	ssyncset.done $0x0  }
0xa1: {  	[sflag:s22] =	ssyncadd.s32 s5;
	_ =	sdelay $0x1  }
0xa2: {  	s23 =	simm.s32 $0x1B8B  }
0xa3: {  	_ =	swait.ge [sflag:s23], $0x1  }
0xa4: {  	[sflag:s23] =	ssyncset.done $0x0  }
0xa5: {  	s25 =	simm.s32 $0x1B8E;
	s24 =	sld [smem:$0x3FFE];
	[sflag:s23] =	ssyncadd.s32 $0xFFFFFFFF  }
0xa6: {  	s26 =	simm.s32 $execute0_lowered;
	[smem:$0x3FD2] =	sst s25  }
0xa7: {  	s6 =	sshll.u32 s26, $0x1;
	_ =	strace $0x80000046;
	[dreg:$0x1] =	wrdreg $0xFFFFFFFF  }
0xa8: {  	s28 =	simm.s32 $_size_execute0_lowered;
	s4 =	sadd.s32 s4, s6;
	[dreg:$0x0] =	wrdreg $0x0  }
0xa9: {  	s6 =	sshll.u32 s28, $0x1;
	[dreg:$0x2] =	wrdreg s4  }
0xaa: {  	[dreg:$0x3] =	wrdreg s6  }
0xab: {  	[dreg:$0x4] =	wrdreg $0xC0  }
0xac: {  	_ =	task [dreg:s8], $0x5FFFF  }
0xad: {  	[dreg:$0x1] =	wrdreg $0xFFFFFFFF  }
0xae: {  	[dreg:$0x0] =	wrdreg $0x60  }
0xaf: {  	[dreg:$0x2] =	wrdreg s2  }
0xb0: {  	[dreg:$0x3] =	wrdreg s18  }
0xb1: {  	[dreg:$0x4] =	wrdreg s24  }
0xb2: {  	[dreg:$0x5] =	wrdreg $0x0  }
0xb3: {  	[dreg:$0x6] =	wrdreg $0x9  }
0xb4: {  	_ =	task.clear_ibuf [dreg:s8], $0x7FFFF;
	_ =	strace $0x90000046  }
0xb5: {  	s29 =	simm.s32 $0x9;
	_ =	strace $0x80000048  }
0xb6: {  	_ =	swait.ge [sflag:s29], $0x1  }
0xb7: {  	[sflag:s29] =	ssyncadd.s32 $0xFFFFFFFF  }
0xb8: {  	_ =	strace $0x90000048  }
0xb9: {  	_ =	sfence  }
0xba: {  	s30 =	sld [smem:$0x0];
	_ =	sdelay $0x2  }
0xbb: {  	s31 =	sshll.u32 s1, $0xD;
	s1 =	sshrl.u32 s1, $0x2  }
0xbc: {  	s3 =	sand.u32 $0x4000, s31;
	s1 =	sadd.s32 s1, s30  }
0xbd: {  	s0 =	sor.u32 s3, s0;
	s1 =	sshll.u32 s1, $0x11  }
0xbe: {  	s0 =	sor.u32 s1, s0  }
0xbf: {  	s0 =	sadd.s32 $0x8F2B, s0  }
0xc0: {  	[sflag:s0] =	ssyncadd.remote.s32 $0x1  }
0xc1: {  	_ =	sfence.sel $0xFFFF  }
0xc2: {  	[dreg:$0x0] =	wrdreg $0xFFFFFFFF;
	(pc) =	sbr.abs _section_cstart, $3  }
0xc3: {  	[dreg:$0x1] =	wrdreg $0xFFFFFFFF  }
0xc4: {  	_ =	task.clear_ibuf [dreg:s8], $0x2FFFF;
	_ =	strace $0x9FFFFFFF  }
0xc5: {  	(tm) =	ssettm $0x7FFFFFFF  }
tec
execute0_lowered:
.L_overlay_start_1:
0x0: {  	(tag) =	ssettag $0x1  }
0x1: {  	s1 =	rddreg [dreg:$0x0]  }
0x2: {  	s0 =	rddreg [dreg:$0x1]  }
0x3: {  	s2 =	rddreg [dreg:$0x2]  }
0x4: {  	s3 =	rddreg [dreg:$0x3];
	s4 =	simm.s32 $0x0;
	s5 =	srdreg.scid  }
0x5: {  	s12 =	stileid.u32;
	s13 =	simm.s32 $0xA000;
	s15 =	simm.s32 $0x2  }
0x6: {  	s16 =	simm.s32 $0x3;
	s17 =	simm.s32 $0x1;
	s18 =	simm.s32 $0x50  }
0x7: {  	s19 =	simm.s32 $0x18A60;
	s21 =	simm.s32 $0x19E60;
	s28 =	simm.s32 $0x1DA60  }
0x8: {  	s29 =	simm.s32 $0x6;
	s30 =	simm.s32 $0x4;
	s23 =	smul.u32 $0x14000, s12  }
0x9: {  	s31 =	simm.s32 $0x5;
	s22 =	simm.s32 $0x18A10;
	s7 =	smul.u32 $0x28000, s12  }
0xa: {  	[smem:$0x7FF] =	sst s4;
	s14 =	sand.u32 $0x1, s5;
	s10 =	smul.u32 $0x4E20, s12  }
0xb: {  	_ =	strace $0x80000047;
	s6 =	sshll.u32 s14, $0x6;
	s24 =	ssub.s32 $0x2, s14  }
0xc: {  	s5 =	sor.u32 s6, s23;
	s9 =	sshrl.u32 s24, $0x1;
	s7 =	sshrl.u32 s7, $0x2  }
0xd: {  	s6 =	sshll.u32 s12, $0x6;
	s25 =	sshrl.u32 s10, $0x3;
	s23 =	simm.s32 $0x1B260  }
0xe: {  	s8 =	sshrl.u32 s5, $0x3;
	s5 =	sadd.s32 $0x1600, s2;
	s11 =	ssub.s32 s24, s9  }
0xf: {  	s26 =	sadd.s32 s7, s3;
	s7 =	sor.u32 $0x1C01, s6;
	s24 =	simm.s32 $0x10  }
0x10: {  	s2 =	sadd.s32 s8, s2;
	s8 =	sadd.s32 s0, s25;
	s11 =	smax.u32 s11, $0x1  }
0x11: {  	s12 =	sshrl.u32 s26, $0x3;
	s25 =	simm.s32 $0x1C660;
	s26 =	simm.s32 $0x8  }
0x12: {  	v0 =	vmov s14;
	s0 =	simm.s32 $0x0;
	s9 =	sadd.s32 $0x9C40, s8;
	s10 =	sadd.s32 $0x2A00, s2  }
.LBB2_1:
0x13: {  	[spmem:s12], [sflag:s7] =	dma.local [hbm:s5], $0x1400  }
0x14: {  	[tilespmem:s13], [sflag:$0x2] =	stream.linear.gather [hbm4b:s8+s4], $0x4E20, $0x38;
	[tilespmem:$0x1EE60] =	vst v63  }
0x15: {  	s2 =	simm.s32 $0xEE20  }
0x16: {  	[tilespmem:s2], [sflag:$0x3] =	stream.linear.gather [hbm4b:s9+s4], $0x4E20, $0x38;
	[tilespmem:$0x1EE60] =	vst v63  }
0x17: {  	_ =	swait.ge [sflag:s15], $0x4E20  }
0x18: {  	[sflag:s15] =	ssyncset.done $0x0  }
0x19: {  	[sflag:s15] =	ssyncadd.s32 $0xFFFFB1E0  }
0x1a: {  	_ =	swait.ge [sflag:s16], $0x4E20  }
0x1b: {  	[sflag:s16] =	ssyncset.done $0x0  }
0x1c: {  	s2 =	simm.s32 $0x0;
	[sflag:s16] =	ssyncadd.s32 $0xFFFFB1E0  }
0x1d: {  	v1 =	vld [tilespmem:s2+$0xA000]  }
0x1e: {  	v2 =	vld [tilespmem:s2+$0xA010]  }
0x1f: {  	v3 =	vld [tilespmem:s2+$0xA020]  }
0x20: {  	v4 =	vld [tilespmem:s2+$0xA030]  }
0x21: {  	v5 =	vld [tilespmem:s2+$0xA040]  }
0x22: {  	v8 =	vld [tilespmem:s2+$0xEE20];
	v1 =	vshll.u32 v1, $0x1  }
0x23: {  	v9 =	vld [tilespmem:s2+$0xEE30];
	v2 =	vshll.u32 v2, $0x1;
	v1 =	vor.u32 v0, v1  }
0x24: {  	v3 =	vshll.u32 v3, $0x1;
	v2 =	vor.u32 v0, v2;
	[tilespmem:s2+$0xA000] =	vst v1;
	v1 =	vld [tilespmem:s2+$0xEE40]  }
0x25: {  	v4 =	vshll.u32 v4, $0x1;
	v3 =	vor.u32 v0, v3;
	[tilespmem:s2+$0xA010] =	vst v2;
	v2 =	vld [tilespmem:s2+$0xEE50]  }
0x26: {  	s14 =	simm.s32 $0x50;
	v5 =	vshll.u32 v5, $0x1;
	v4 =	vor.u32 v0, v4;
	[tilespmem:s2+$0xA020] =	vst v3;
	v3 =	vld [tilespmem:s2+$0xEE60]  }
0x27: {  	v7 =	vld [tilespmem:s14+$0xA000];
	[tilespmem:s2+$0xA030] =	vst v4;
	v4 =	vor.u32 v0, v5  }
0x28: {  	v6 =	vld [tilespmem:s14+$0xA010];
	[tilespmem:s2+$0xA040] =	vst v4  }
0x29: {  	v5 =	vld [tilespmem:s14+$0xA020];
	[tilespmem:s2+$0x13C40] =	vst v8  }
0x2a: {  	s20 =	simm.s32 $0x280;
	v4 =	vld [tilespmem:s14+$0xA030];
	[tilespmem:s2+$0x13C50] =	vst v9  }
.LBB2_2:
0x2b: {  	p0 =	sne.s32 s20, $0x13740;
	v8 =	vld [tilespmem:s14+$0xA040];
	[tilespmem:s2+$0x13C60] =	vst v1  }
0x2c: {  	v1 =	vshll.u32 v7, $0x1;
	v9 =	vld [tilespmem:s14+$0xEE20];
	[tilespmem:s2+$0x13C70] =	vst v2  }
0x2d: {  	v1 =	vor.u32 v0, v1;
	v2 =	vshll.u32 v6, $0x1;
	v10 =	vld [tilespmem:s14+$0xEE30];
	[tilespmem:s2+$0x13C80] =	vst v3;
	s2 =	smov.u32 s14  }
0x2e: {  	[tilespmem:s2+$0xA000] =	vst v1;
	v2 =	vor.u32 v0, v2;
	v3 =	vshll.u32 v5, $0x1;
	v1 =	vld [tilespmem:s2+$0xEE40]  }
0x2f: {  	[tilespmem:s2+$0xA010] =	vst v2;
	v3 =	vor.u32 v0, v3;
	v4 =	vshll.u32 v4, $0x1;
	v2 =	vld [tilespmem:s2+$0xEE50]  }
.Ltmp0:
0x30: {  	s14 =	sshra.s32 s20, $0x2;
	[tilespmem:s2+$0xA020] =	vst v3;
	v4 =	vor.u32 v0, v4;
	v5 =	vshll.u32 v8, $0x1;
	v3 =	vld [tilespmem:s2+$0xEE60];
	(pc) =	sbr.rel @p0 .LBB2_2-.Ltmp0, $4  }
0x31: {  	v7 =	vld [tilespmem:s14+$0xA000];
	[tilespmem:s2+$0xA030] =	vst v4;
	v4 =	vor.u32 v0, v5  }
0x32: {  	v6 =	vld [tilespmem:s14+$0xA010];
	[tilespmem:s2+$0xA040] =	vst v4  }
0x33: {  	v5 =	vld [tilespmem:s14+$0xA020];
	[tilespmem:s2+$0x13C40] =	vst v9  }
0x34: {  	s20 =	sadd.s32 $0x140, s20;
	v4 =	vld [tilespmem:s14+$0xA030];
	[tilespmem:s2+$0x13C50] =	vst v10  }
0x35: {  	v8 =	vld [tilespmem:s14+$0xA040];
	[tilespmem:s2+$0x13C60] =	vst v1  }
0x36: {  	v1 =	vld [tilespmem:s14+$0xEE20];
	[tilespmem:s2+$0x13C70] =	vst v2;
	v2 =	vshll.u32 v7, $0x1  }
0x37: {  	v60 =	vld [tilespmem:s14+$0xEE30];
	v2 =	vor.u32 v0, v2;
	[tilespmem:s2+$0x13C80] =	vst v3;
	v3 =	vshll.u32 v6, $0x1  }
0x38: {  	[tilespmem:s14+$0xA000] =	vst v2;
	v2 =	vor.u32 v0, v3;
	v5 =	vshll.u32 v5, $0x1  }
0x39: {  	[tilespmem:s14+$0xA010] =	vst v2;
	v2 =	vor.u32 v0, v5;
	v4 =	vshll.u32 v4, $0x1  }
0x3a: {  	v3 =	vld [tilespmem:s14+$0xEE40];
	[tilespmem:s14+$0xA020] =	vst v2;
	v2 =	vor.u32 v0, v4  }
0x3b: {  	v61 =	vld [tilespmem:s14+$0xEE50];
	v62 =	vshll.u32 v8, $0x1;
	[tilespmem:s14+$0xA030] =	vst v2  }
0x3c: {  	v63 =	vld [tilespmem:s14+$0xEE60];
	v2 =	vor.u32 v0, v62;
	[tilespmem:s14+$0x13C40] =	vst v1  }
0x3d: {  	[tilespmem:s14+$0xA040] =	vst v2  }
0x3e: {  	[tilespmem:s14+$0x13C50] =	vst v60  }
0x3f: {  	[tilespmem:s14+$0x13C60] =	vst v3  }
0x40: {  	[tilespmem:s14+$0x13C70] =	vst v61  }
0x41: {  	[tilespmem:s14+$0x13C80] =	vst v63  }
0x42: {  	_ =	swait.ge [sflag:s17], $0x1400  }
0x43: {  	[sflag:s17] =	ssyncset.done $0x0  }
0x44: {  	[sflag:s17] =	ssyncadd.s32 $0xFFFFEC00  }
0x45: {  	[bflag:$0x0] =	sbarrier.arrive $0xFFFF  }
0x46: {  	[tilespmem:s19], [sflag:$0x1] =	stream.indirect.gather [hbm4b:s1+s18], $0x40, s13, s18, $0xb8;
	[tilespmem:$0x1EE60] =	vst v63  }
0x47: {  	s20 =	simm.s32 $0xA050  }
0x48: {  	[tilespmem:s21], [sflag:$0x2] =	stream.indirect.gather [hbm4b:s1+s18], $0x40, s20, s18, $0xb8;
	[tilespmem:$0x1EE60] =	vst v63  }
0x49: {  	s14 =	simm.s32 $0xA0A0  }
0x4a: {  	[tilespmem:s23], [sflag:$0x3] =	stream.indirect.gather [hbm4b:s1+s18], $0x40, s14, s18, $0xb8;
	[tilespmem:$0x1EE60] =	vst v63  }
0x4b: {  	s20 =	simm.s32 $0xA0F0  }
0x4c: {  	[tilespmem:s25], [sflag:$0x4] =	stream.indirect.gather [hbm4b:s1+s18], $0x40, s20, s18, $0xb8;
	[tilespmem:$0x1EE60] =	vst v63  }
0x4d: {  	s14 =	simm.s32 $0xA140  }
0x4e: {  	[tilespmem:s28], [sflag:$0x5] =	stream.indirect.gather [hbm4b:s1+s18], $0x40, s14, s18, $0xb8;
	[tilespmem:$0x1EE60] =	vst v63  }
0x4f: {  	_ =	swait.ge [sflag:s17], $0x1400  }
0x50: {  	[sflag:s17] =	ssyncset.done $0x0  }
0x51: {  	s20 =	simm.s32 $0x13C40;
	[sflag:s17] =	ssyncadd.s32 $0xFFFFEC00  }
0x52: {  	[spmem:s3] =	stream.indirect.scatter.add.f32 [tilespmem:s19], [sflag:$0x6], $0x40, s20, s18, $0xb8;
	[tilespmem:$0x1EE60] =	vst v63  }
0x53: {  	_ =	swait.ge [sflag:s29], $0x1400  }
0x54: {  	[sflag:s29] =	ssyncset.done $0x0  }
0x55: {  	s14 =	simm.s32 $0xA190;
	[sflag:s29] =	ssyncadd.s32 $0xFFFFEC00  }
0x56: {  	[tilespmem:s19], [sflag:$0x1] =	stream.indirect.gather [hbm4b:s1+s18], $0x40, s14, s18, $0xb8;
	[tilespmem:$0x1EE60] =	vst v63  }
0x57: {  	_ =	swait.ge [sflag:s15], $0x1400  }
0x58: {  	[sflag:s15] =	ssyncset.done $0x0  }
0x59: {  	s20 =	simm.s32 $0x13C90;
	[sflag:s15] =	ssyncadd.s32 $0xFFFFEC00  }
0x5a: {  	[spmem:s3] =	stream.indirect.scatter.add.f32 [tilespmem:s21], [sflag:$0x6], $0x40, s20, s18, $0xb8;
	[tilespmem:$0x1EE60] =	vst v63  }
0x5b: {  	_ =	swait.ge [sflag:s29], $0x1400  }
0x5c: {  	[sflag:s29] =	ssyncset.done $0x0  }
0x5d: {  	s14 =	simm.s32 $0xA1E0;
	[sflag:s29] =	ssyncadd.s32 $0xFFFFEC00  }
0x5e: {  	[tilespmem:s21], [sflag:$0x2] =	stream.indirect.gather [hbm4b:s1+s18], $0x40, s14, s18, $0xb8;
	[tilespmem:$0x1EE60] =	vst v63  }
0x5f: {  	_ =	swait.ge [sflag:s16], $0x1400  }
0x60: {  	[sflag:s16] =	ssyncset.done $0x0  }
0x61: {  	s20 =	simm.s32 $0x13CE0;
	[sflag:s16] =	ssyncadd.s32 $0xFFFFEC00  }
0x62: {  	[spmem:s3] =	stream.indirect.scatter.add.f32 [tilespmem:s23], [sflag:$0x6], $0x40, s20, s18, $0xb8;
	[tilespmem:$0x1EE60] =	vst v63  }
0x63: {  	_ =	swait.ge [sflag:s29], $0x1400  }
0x64: {  	[sflag:s29] =	ssyncset.done $0x0  }
0x65: {  	s14 =	simm.s32 $0xA230;
	[sflag:s29] =	ssyncadd.s32 $0xFFFFEC00  }
0x66: {  	[tilespmem:s23], [sflag:$0x3] =	stream.indirect.gather [hbm4b:s1+s18], $0x40, s14, s18, $0xb8;
	[tilespmem:$0x1EE60] =	vst v63  }
0x67: {  	_ =	swait.ge [sflag:s30], $0x1400  }
0x68: {  	[sflag:s30] =	ssyncset.done $0x0  }
0x69: {  	s20 =	simm.s32 $0x13D30;
	[sflag:s30] =	ssyncadd.s32 $0xFFFFEC00  }
0x6a: {  	[spmem:s3] =	stream.indirect.scatter.add.f32 [tilespmem:s25], [sflag:$0x6], $0x40, s20, s18, $0xb8;
	[tilespmem:$0x1EE60] =	vst v63  }
0x6b: {  	_ =	swait.ge [sflag:s29], $0x1400  }
0x6c: {  	[sflag:s29] =	ssyncset.done $0x0  }
0x6d: {  	s14 =	simm.s32 $0xA280;
	[sflag:s29] =	ssyncadd.s32 $0xFFFFEC00  }
0x6e: {  	[tilespmem:s25], [sflag:$0x4] =	stream.indirect.gather [hbm4b:s1+s18], $0x40, s14, s18, $0xb8;
	[tilespmem:$0x1EE60] =	vst v63  }
0x6f: {  	_ =	swait.ge [sflag:s31], $0x1400  }
0x70: {  	[sflag:s31] =	ssyncset.done $0x0  }
0x71: {  	s20 =	simm.s32 $0x13D80;
	[sflag:s31] =	ssyncadd.s32 $0xFFFFEC00  }
0x72: {  	[spmem:s3] =	stream.indirect.scatter.add.f32 [tilespmem:s28], [sflag:$0x6], $0x40, s20, s18, $0xb8;
	[tilespmem:$0x1EE60] =	vst v63  }
0x73: {  	_ =	swait.ge [sflag:s29], $0x1400  }
0x74: {  	[sflag:s29] =	ssyncset.done $0x0  }
0x75: {  	s2 =	simm.s32 $0x640;
	s14 =	simm.s32 $0xA2D0;
	[sflag:s29] =	ssyncadd.s32 $0xFFFFEC00  }
.LBB2_4:
0x76: {  	[tilespmem:s28], [sflag:$0x5] =	stream.indirect.gather [hbm4b:s1+s18], $0x40, s14, s18, $0xb8;
	[tilespmem:$0x1EE60] =	vst v63  }
0x77: {  	s14 =	smov.u32 s2  }
0x78: {  	p0 =	sne.s32 s2, $0x12C00;
	s2 =	sadd.s32 $0x640, s2;
	_ =	swait.ge [sflag:s17], $0x1400  }
0x79: {  	s14 =	sshra.s32 s14, $0x2;
	[sflag:s17] =	ssyncset.done $0x0  }
0x7a: {  	s20 =	sadd.s32 $0x13C40, s14;
	[sflag:s17] =	ssyncadd.s32 $0xFFFFEC00  }
0x7b: {  	[spmem:s3] =	stream.indirect.scatter.add.f32 [tilespmem:s19], [sflag:$0x6], $0x40, s20, s18, $0xb8;
	[tilespmem:$0x1EE60] =	vst v63  }
0x7c: {  	_ =	swait.ge [sflag:s29], $0x1400  }
0x7d: {  	[sflag:s29] =	ssyncset.done $0x0  }
0x7e: {  	s20 =	sadd.s32 $0xA190, s14;
	[sflag:s29] =	ssyncadd.s32 $0xFFFFEC00  }
0x7f: {  	[tilespmem:s19], [sflag:$0x1] =	stream.indirect.gather [hbm4b:s1+s18], $0x40, s20, s18, $0xb8;
	[tilespmem:$0x1EE60] =	vst v63  }
0x80: {  	_ =	swait.ge [sflag:s15], $0x1400  }
0x81: {  	[sflag:s15] =	ssyncset.done $0x0  }
0x82: {  	s20 =	sadd.s32 $0x13C90, s14;
	[sflag:s15] =	ssyncadd.s32 $0xFFFFEC00  }
0x83: {  	[spmem:s3] =	stream.indirect.scatter.add.f32 [tilespmem:s21], [sflag:$0x6], $0x40, s20, s18, $0xb8;
	[tilespmem:$0x1EE60] =	vst v63  }
0x84: {  	_ =	swait.ge [sflag:s29], $0x1400  }
0x85: {  	[sflag:s29] =	ssyncset.done $0x0  }
0x86: {  	s20 =	sadd.s32 $0xA1E0, s14;
	[sflag:s29] =	ssyncadd.s32 $0xFFFFEC00  }
0x87: {  	[tilespmem:s21], [sflag:$0x2] =	stream.indirect.gather [hbm4b:s1+s18], $0x40, s20, s18, $0xb8;
	[tilespmem:$0x1EE60] =	vst v63  }
0x88: {  	_ =	swait.ge [sflag:s16], $0x1400  }
0x89: {  	[sflag:s16] =	ssyncset.done $0x0  }
0x8a: {  	s20 =	sadd.s32 $0x13CE0, s14;
	[sflag:s16] =	ssyncadd.s32 $0xFFFFEC00  }
0x8b: {  	[spmem:s3] =	stream.indirect.scatter.add.f32 [tilespmem:s23], [sflag:$0x6], $0x40, s20, s18, $0xb8;
	[tilespmem:$0x1EE60] =	vst v63  }
0x8c: {  	_ =	swait.ge [sflag:s29], $0x1400  }
0x8d: {  	[sflag:s29] =	ssyncset.done $0x0  }
0x8e: {  	s20 =	sadd.s32 $0xA230, s14;
	[sflag:s29] =	ssyncadd.s32 $0xFFFFEC00  }
0x8f: {  	[tilespmem:s23], [sflag:$0x3] =	stream.indirect.gather [hbm4b:s1+s18], $0x40, s20, s18, $0xb8;
	[tilespmem:$0x1EE60] =	vst v63  }
0x90: {  	_ =	swait.ge [sflag:s30], $0x1400  }
0x91: {  	[sflag:s30] =	ssyncset.done $0x0  }
0x92: {  	s20 =	sadd.s32 $0x13D30, s14;
	[sflag:s30] =	ssyncadd.s32 $0xFFFFEC00  }
0x93: {  	[spmem:s3] =	stream.indirect.scatter.add.f32 [tilespmem:s25], [sflag:$0x6], $0x40, s20, s18, $0xb8;
	[tilespmem:$0x1EE60] =	vst v63  }
0x94: {  	_ =	swait.ge [sflag:s29], $0x1400  }
0x95: {  	[sflag:s29] =	ssyncset.done $0x0  }
0x96: {  	s20 =	sadd.s32 $0xA280, s14;
	[sflag:s29] =	ssyncadd.s32 $0xFFFFEC00  }
0x97: {  	[tilespmem:s25], [sflag:$0x4] =	stream.indirect.gather [hbm4b:s1+s18], $0x40, s20, s18, $0xb8;
	[tilespmem:$0x1EE60] =	vst v63  }
0x98: {  	_ =	swait.ge [sflag:s31], $0x1400  }
0x99: {  	[sflag:s31] =	ssyncset.done $0x0  }
.Ltmp1:
0x9a: {  	s20 =	sadd.s32 $0x13D80, s14;
	[sflag:s31] =	ssyncadd.s32 $0xFFFFEC00;
	(pc) =	sbr.rel @p0 .LBB2_4-.Ltmp1, $4  }
0x9b: {  	[spmem:s3] =	stream.indirect.scatter.add.f32 [tilespmem:s28], [sflag:$0x6], $0x40, s20, s18, $0xb8;
	[tilespmem:$0x1EE60] =	vst v63  }
0x9c: {  	_ =	swait.ge [sflag:s29], $0x1400  }
0x9d: {  	[sflag:s29] =	ssyncset.done $0x0  }
0x9e: {  	s14 =	sadd.s32 $0xA2D0, s14;
	[sflag:s29] =	ssyncadd.s32 $0xFFFFEC00  }
0x9f: {  	[tilespmem:s28], [sflag:$0x5] =	stream.indirect.gather [hbm4b:s1+s18], $0x40, s14, s18, $0xb8;
	[tilespmem:$0x1EE60] =	vst v63  }
0xa0: {  	_ =	swait.ge [sflag:s17], $0x1400  }
0xa1: {  	[sflag:s17] =	ssyncset.done $0x0  }
0xa2: {  	s2 =	simm.s32 $0x188D0;
	[sflag:s17] =	ssyncadd.s32 $0xFFFFEC00  }
0xa3: {  	[spmem:s3] =	stream.indirect.scatter.add.f32 [tilespmem:s19], [sflag:$0x6], $0x40, s2, s18, $0xb8;
	[tilespmem:$0x1EE60] =	vst v63  }
0xa4: {  	_ =	swait.ge [sflag:s29], $0x1400  }
0xa5: {  	[sflag:s29] =	ssyncset.done $0x0  }
0xa6: {  	[sflag:s29] =	ssyncadd.s32 $0xFFFFEC00  }
0xa7: {  	_ =	swait.ge [sflag:s15], $0x1400  }
0xa8: {  	[sflag:s15] =	ssyncset.done $0x0  }
0xa9: {  	s14 =	simm.s32 $0x18920;
	[sflag:s15] =	ssyncadd.s32 $0xFFFFEC00  }
0xaa: {  	[spmem:s3] =	stream.indirect.scatter.add.f32 [tilespmem:s21], [sflag:$0x6], $0x40, s14, s18, $0xb8;
	[tilespmem:$0x1EE60] =	vst v63  }
0xab: {  	_ =	swait.ge [sflag:s29], $0x1400  }
0xac: {  	[sflag:s29] =	ssyncset.done $0x0  }
0xad: {  	[sflag:s29] =	ssyncadd.s32 $0xFFFFEC00  }
0xae: {  	_ =	swait.ge [sflag:s16], $0x1400  }
0xaf: {  	[sflag:s16] =	ssyncset.done $0x0  }
0xb0: {  	s20 =	simm.s32 $0x18970;
	[sflag:s16] =	ssyncadd.s32 $0xFFFFEC00  }
0xb1: {  	[spmem:s3] =	stream.indirect.scatter.add.f32 [tilespmem:s23], [sflag:$0x6], $0x40, s20, s18, $0xb8;
	[tilespmem:$0x1EE60] =	vst v63  }
0xb2: {  	_ =	swait.ge [sflag:s29], $0x1400  }
0xb3: {  	[sflag:s29] =	ssyncset.done $0x0  }
0xb4: {  	[sflag:s29] =	ssyncadd.s32 $0xFFFFEC00  }
0xb5: {  	_ =	swait.ge [sflag:s30], $0x1400  }
0xb6: {  	[sflag:s30] =	ssyncset.done $0x0  }
0xb7: {  	s14 =	simm.s32 $0x189C0;
	[sflag:s30] =	ssyncadd.s32 $0xFFFFEC00  }
0xb8: {  	[spmem:s3] =	stream.indirect.scatter.add.f32 [tilespmem:s25], [sflag:$0x6], $0x40, s14, s18, $0xb8;
	[tilespmem:$0x1EE60] =	vst v63  }
0xb9: {  	_ =	swait.ge [sflag:s29], $0x1400  }
0xba: {  	[sflag:s29] =	ssyncset.done $0x0  }
0xbb: {  	[sflag:s29] =	ssyncadd.s32 $0xFFFFEC00  }
0xbc: {  	_ =	swait.ge [sflag:s31], $0x1400  }
0xbd: {  	[sflag:s31] =	ssyncset.done $0x0  }
0xbe: {  	[sflag:s31] =	ssyncadd.s32 $0xFFFFEC00  }
0xbf: {  	[spmem:s3] =	stream.indirect.scatter.add.f32 [tilespmem:s28], [sflag:$0x6], $0x40, s22, s18, $0xb8;
	[tilespmem:$0x1EE60] =	vst v63  }
0xc0: {  	_ =	swait.ge [sflag:s29], $0x1400  }
0xc1: {  	s0 =	sadd.s32 $0x1, s0;
	[sflag:s29] =	ssyncset.done $0x0  }
0xc2: {  	p0 =	sne.s32 s0, s11;
	[sflag:s29] =	ssyncadd.s32 $0xFFFFEC00  }
.Ltmp2:
0xc3: {  	s20 =	sor.u32 $0x1C06, s6;
	[bflag:$0x0] =	sbarrier.arrive $0xFFFF;
	(pc) =	sbr.rel @p0 .LBB2_1-.Ltmp2, $4  }
0xc4: {  	[hbm:s10@s24], [sflag:s20] =	dma.strided [spmem:s12@s26], $0x1400, s17, $0x8   }
0xc5: {  	_ =	swait.ge [sflag:s29], $0x1400  }
0xc6: {  	[sflag:s29] =	ssyncset.done $0x0  }
0xc7: {  	[sflag:s29] =	ssyncadd.s32 $0xFFFFEC00  }
0xc8: {  	_ =	sfence.sel $0x180000  }
0xc9: {  	[bflag:$0x0] =	sbarrier.arrive $0xFFFF  }
0xca: {  	_ =	strace $0x90000047  }
0xcb: {  	s0 =	stileid.u32;
	[bflag:$0x2] =	sbarrier.arrive $0xFFFF  }
0xcc: {  	p0 =	sne.s32 s0, $0x0;
	s0 =	rddreg [dreg:$0x4]  }
0xcd: {  	s0 =	sadd.s32 @!p0 $0x100000, s0  }
0xce: {  	[sflag:s0] =	ssyncadd.tile.s32 @!p0 $0x1;
	_ =	shalt  }
.Lfunc_end2:
_tile_overlayer_lowered:
.L_overlay_start_2:
0xcf: {  	(tag) =	ssettag $0x2  }
0xd0: {  	s0 =	rddreg [dreg:$0x0];
	s2 =	stileid.u32  }
0xd1: {  	s1 =	rddreg [dreg:$0x1];
	p0 =	sne.s32 s2, $0x0  }
0xd2: {  	s3 =	rddreg [dreg:$0x2];
	[bflag:$0x3] =	sbarrier.arrive $0xFFFF;
	s2 =	simm.s32 @!p0 $0x1C06  }
0xd3: {  	[timem:s3], [sflag:s2] =	dma.local @!p0 [hbm:s0], s1  }
0xd4: {  	s0 =	simm.s32 @!p0 $0x6  }
0xd5: {  	_ =	swait.ge @!p0 [sflag:s0], s1  }
0xd6: {  	s1 =	ssub.s32 @!p0 $0x0, s1;
	[sflag:s0] =	ssyncset.done @!p0 $0x0  }
0xd7: {  	[sflag:s0] =	ssyncadd.s32 @!p0 s1  }
0xd8: {  	[bflag:$0x3] =	sbarrier.arrive $0xFFFF  }
0xd9: {  	_ =	shalt  }

</sc_bundles>
